<compile_context>
chip_gen: v7x
topology: tpu7x:2x2x1
jax: 0.10.2.dev20260603
libtpu: 0.0.44.dev20260713+nightly
codegen_flags: <defaults>
</compile_context>

<pallas_src>
import functools

import jax
import jax.numpy as jnp
from jax import lax
from jax.experimental import pallas as pl
from jax.experimental.pallas import tpu as pltpu
from jax.experimental.pallas import tpu_sc as plsc

_NBUF = 3
_UNROLL = 8


def kernel(spikes, embed):
    b, t, c, h = spikes.shape
    v_rows, d = embed.shape
    n = b * t * c * h
    idx = spikes.reshape(n)

    info = plsc.get_sparse_core_info()
    nw = info.num_cores * info.num_subcores
    lanes = info.num_lanes
    per_w = n // nw
    chunk = 1024
    n_chunks = per_w // chunk

    mesh = plsc.VectorSubcoreMesh(core_axis_name="c", subcore_axis_name="s")

    @functools.partial(
        pl.kernel,
        mesh=mesh,
        out_type=jax.ShapeDtypeStruct((n * d,), jnp.float32),
        scratch_types=[
            pltpu.VMEM((v_rows * d,), jnp.float32),
            pltpu.VMEM((_NBUF * chunk,), jnp.int32),
            pltpu.VMEM((_NBUF * chunk * d,), jnp.float32),
            pltpu.SemaphoreType.DMA((_NBUF,)),
            pltpu.SemaphoreType.DMA((_NBUF,)),
        ],
    )
    def run(idx_hbm, table_hbm, out_hbm, table_v, idx_v, rows_v, isem, osem):
        wid = lax.axis_index("s") * info.num_cores + lax.axis_index("c")
        base = wid * per_w

        pltpu.sync_copy(table_hbm, table_v)

        def idx_copy(i, s):
            return pltpu.make_async_copy(
                idx_hbm.at[pl.ds(base + i * chunk, chunk)],
                idx_v.at[pl.ds(s * chunk, chunk)], isem.at[s])

        def out_copy(i, s):
            return pltpu.make_async_copy(
                rows_v.at[pl.ds(s * chunk * d, chunk * d)],
                out_hbm.at[pl.ds((base + i * chunk) * d, chunk * d)],
                osem.at[s])

        def compute(s):
            @plsc.parallel_loop(0, chunk // lanes, 1, unroll=4)
            def kbody(k):
                ivec = idx_v[pl.ds((s * chunk + k * lanes), lanes)]
                for u in range(lanes):
                    off = ivec[u] * d
                    obase = (s * chunk + k * lanes + u) * d
                    for half in range(d // lanes):
                        rows_v[pl.ds(obase + half * lanes, lanes)] = (
                            table_v[pl.ds(off + half * lanes, lanes)])

        idx_copy(0, 0).start()

        def chunk_body(i, carry):
            s = lax.rem(i, _NBUF)

            @pl.when(i + 1 < n_chunks)
            def _():
                idx_copy(i + 1, lax.rem(i + 1, _NBUF)).start()

            idx_copy(i, s).wait()

            @pl.when(i >= _NBUF)
            def _():
                out_copy(i - _NBUF, s).wait()

            compute(s)
            out_copy(i, s).start()
            return carry

        lax.fori_loop(0, n_chunks, chunk_body, 0)
        for j in range(_NBUF):
            i = n_chunks - _NBUF + j
            out_copy(i, i % _NBUF).wait()

    out = run(idx, embed.reshape(v_rows * d))
    return out.reshape(b, t, c * h * d)

# --- scband reference (transcript-rebuilt; emitter-appended) ---
"""Pipeline reference for scband-spike-context-24919400251973 (READ-ONLY COPY).

The authoritative reference and input builder live on the scoring server;
editing this copy changes nothing except your own understanding.
"""

import jax, jax.numpy as jnp
import numpy as np

MAX_NEURON_COUNT = 32
SPIKE_EMBED_DIM = 32

def setup_inputs(seed: int = 0) -> dict:
    key = jax.random.key(seed)
    k1, k2 = jax.random.split(key)
    spikes = jax.random.randint(k1, (64, 512, 32, 1), 0, MAX_NEURON_COUNT, dtype=jnp.int32)
    # nn.Embedding(max_neuron_count, spike_embed_dim) weight; pad_token=0 is falsy so padding_idx=None
    embed = jax.random.normal(k2, (MAX_NEURON_COUNT, SPIKE_EMBED_DIM), dtype=jnp.float32)
    return {"spikes": spikes, "embed": embed}

def reference(spikes, embed):
    # SpikeContext.encode with spike_embed_style == EmbedStrat.token
    b, t, c, h = spikes.shape
    state_in = spikes.reshape(b, t, c * h)            # rearrange 'b t c h -> b t (c h)'
    emb = jnp.take(embed, state_in, axis=0)            # nn.Embedding lookup -> [b, t, c*h, d]
    out = emb.reshape(b, t, (c * h) * embed.shape[-1]) # flatten(-2, -1)
    return out

if __name__ == "__main__":
    import jax
    _d = setup_inputs()
    print(jax.jit(kernel)(*tuple(_d.values())))

</pallas_src>

<mosaic_0001>
#map = affine_map<(d0, d1) -> (0)>
module attributes {stable_mosaic.version = 14 : i64} {
  func.func @run(%arg0: i32, %arg1: i32, %arg2: memref<1048576xi32, #tpu.memory_space<hbm>>, %arg3: memref<1024xf32, #tpu.memory_space<hbm>>, %arg4: memref<33554432xf32, #tpu.memory_space<hbm>>, %arg5: memref<1024xf32, #tpu.memory_space<vmem>>, %arg6: memref<3072xi32, #tpu.memory_space<vmem>>, %arg7: memref<98304xf32, #tpu.memory_space<vmem>>, %arg8: memref<3x!tpu.dma_semaphore, #tpu.memory_space<semaphore_mem>>, %arg9: memref<3x!tpu.dma_semaphore, #tpu.memory_space<semaphore_mem>>) attributes {dimension_semantics = [#tpu.dimension_semantics<core_parallel>, #tpu.dimension_semantics<subcore_parallel>], iteration_bounds = array<i64: 2, 16>, scalar_prefetch = 0 : i64, scratch_operands = 5 : i64, tpu.core_type = #tpu.core_type<sc_vector_subcore>, window_params = [{transform_indices = #map}, {transform_indices = #map}, {transform_indices = #map}]} {
    %mul3A = arith.constant 2 : i32
    %mul3A_0 = arith.muli %arg1, %mul3A : i32
    %add3A = arith.addi %mul3A_0, %arg0 : i32
    %mul3A_1 = arith.constant 32768 : i32
    %mul3A_2 = arith.muli %add3A, %mul3A_1 : i32
    "tpu.region"() ({
      %run_scoped3A = tpu.sem_alloc : memref<!tpu.dma_semaphore, #tpu.memory_space<semaphore_mem>>
      tpu.enqueue_dma source(%arg3 : memref<1024xf32, #tpu.memory_space<hbm>>) target(%arg5 : memref<1024xf32, #tpu.memory_space<vmem>>) target_semaphore(%run_scoped3A : memref<!tpu.dma_semaphore, #tpu.memory_space<semaphore_mem>>)
      tpu.wait_dma2 semaphore(%run_scoped3A : memref<!tpu.dma_semaphore, #tpu.memory_space<semaphore_mem>>) src(%arg3 : memref<1024xf32, #tpu.memory_space<hbm>>) dst(%arg5 : memref<1024xf32, #tpu.memory_space<vmem>>)
      tpu.yield
    }) : () -> ()
    %add3A_3 = arith.constant 0 : i32
    %add3A_4 = arith.addi %mul3A_2, %add3A_3 : i32
    %dma_start3A = arith.constant 0 : i32
    %dma_start3A_5 = arith.constant 0 : i32
    %dma_start3A_6 = tpu.memref_slice %arg6[%dma_start3A_5] : memref<3072xi32, #tpu.memory_space<vmem>> -> memref<1024xi32, #tpu.memory_space<vmem>>
    %dma_start3A_7 = tpu.memref_slice %arg2[%add3A_4] : memref<1048576xi32, #tpu.memory_space<hbm>> -> memref<1024xi32, #tpu.memory_space<hbm>>
    %dma_start3A_8 = tpu.memref_slice %arg8[%dma_start3A] : memref<3x!tpu.dma_semaphore, #tpu.memory_space<semaphore_mem>> -> memref<1x!tpu.dma_semaphore, #tpu.memory_space<semaphore_mem>>
    %dma_start3A_9 = tpu.memref_squeeze %dma_start3A_8 : memref<1x!tpu.dma_semaphore, #tpu.memory_space<semaphore_mem>> -> memref<!tpu.dma_semaphore, #tpu.memory_space<semaphore_mem>>
    %dma_start3A_10 = arith.constant 0 : i32
    %dma_start3A_11 = tpu.memref_slice %arg6[%dma_start3A_10] : memref<3072xi32, #tpu.memory_space<vmem>> -> memref<1024xi32, #tpu.memory_space<vmem>>
    %dma_start3A_12 = tpu.memref_slice %arg2[%add3A_4] : memref<1048576xi32, #tpu.memory_space<hbm>> -> memref<1024xi32, #tpu.memory_space<hbm>>
    tpu.enqueue_dma source(%dma_start3A_12 : memref<1024xi32, #tpu.memory_space<hbm>>) target(%dma_start3A_11 : memref<1024xi32, #tpu.memory_space<vmem>>) target_semaphore(%dma_start3A_9 : memref<!tpu.dma_semaphore, #tpu.memory_space<semaphore_mem>>)
    %scan3A = arith.constant 0 : i32
    %scan3A_13 = arith.constant 0 : i32
    %scan3A_14 = arith.constant 32 : i32
    %scan3A_15 = arith.addi %scan3A_13, %scan3A_14 : i32
    %scan3A_16 = arith.constant 1 : i32
    scf.for %scan3A_56 = %scan3A_13 to %scan3A_15 step %scan3A_16  : i32 {
      %rem3A = arith.constant 3 : i32
      %rem3A_57 = arith.remsi %scan3A_56, %rem3A : i32
      %add3A_58 = arith.constant 1 : i32
      %add3A_59 = arith.addi %scan3A_56, %add3A_58 : i32
      %lt3A = arith.constant 32 : i32
      %lt3A_60 = arith.cmpi slt, %add3A_59, %lt3A : i32
      %convert_element_type3A = arith.extui %lt3A_60 : i1 to i32
      %cond3A = arith.constant 0 : i32
      %cond3A_61 = arith.cmpi ne, %convert_element_type3A, %cond3A : i32
      scf.if %cond3A_61 {
        %add3A_94 = arith.constant 1 : i32
        %add3A_95 = arith.addi %scan3A_56, %add3A_94 : i32
        %add3A_96 = arith.constant 1 : i32
        %add3A_97 = arith.addi %scan3A_56, %add3A_96 : i32
        %rem3A_98 = arith.constant 3 : i32
        %rem3A_99 = arith.remsi %add3A_97, %rem3A_98 : i32
        %mul3A_100 = arith.constant 1024 : i32
        %mul3A_101 = arith.muli %add3A_95, %mul3A_100 : i32
        %add3A_102 = arith.addi %mul3A_2, %mul3A_101 : i32
        %mul3A_103 = arith.constant 1024 : i32
        %mul3A_104 = arith.muli %rem3A_99, %mul3A_103 : i32
        %dma_start3A_105 = tpu.memref_slice %arg6[%mul3A_104] : memref<3072xi32, #tpu.memory_space<vmem>> -> memref<1024xi32, #tpu.memory_space<vmem>>
        %dma_start3A_106 = tpu.memref_slice %arg2[%add3A_102] : memref<1048576xi32, #tpu.memory_space<hbm>> -> memref<1024xi32, #tpu.memory_space<hbm>>
        %dma_start3A_107 = tpu.memref_slice %arg8[%rem3A_99] : memref<3x!tpu.dma_semaphore, #tpu.memory_space<semaphore_mem>> -> memref<1x!tpu.dma_semaphore, #tpu.memory_space<semaphore_mem>>
        %dma_start3A_108 = tpu.memref_squeeze %dma_start3A_107 : memref<1x!tpu.dma_semaphore, #tpu.memory_space<semaphore_mem>> -> memref<!tpu.dma_semaphore, #tpu.memory_space<semaphore_mem>>
        %dma_start3A_109 = tpu.memref_slice %arg6[%mul3A_104] : memref<3072xi32, #tpu.memory_space<vmem>> -> memref<1024xi32, #tpu.memory_space<vmem>>
        %dma_start3A_110 = tpu.memref_slice %arg2[%add3A_102] : memref<1048576xi32, #tpu.memory_space<hbm>> -> memref<1024xi32, #tpu.memory_space<hbm>>
        tpu.enqueue_dma source(%dma_start3A_110 : memref<1024xi32, #tpu.memory_space<hbm>>) target(%dma_start3A_109 : memref<1024xi32, #tpu.memory_space<vmem>>) target_semaphore(%dma_start3A_108 : memref<!tpu.dma_semaphore, #tpu.memory_space<semaphore_mem>>)
      } else {
      }
      %mul3A_62 = arith.constant 1024 : i32
      %mul3A_63 = arith.muli %scan3A_56, %mul3A_62 : i32
      %add3A_64 = arith.addi %mul3A_2, %mul3A_63 : i32
      %mul3A_65 = arith.constant 1024 : i32
      %mul3A_66 = arith.muli %rem3A_57, %mul3A_65 : i32
      %dma_wait3A_67 = tpu.memref_slice %arg6[%mul3A_66] : memref<3072xi32, #tpu.memory_space<vmem>> -> memref<1024xi32, #tpu.memory_space<vmem>>
      %dma_wait3A_68 = tpu.memref_slice %arg2[%add3A_64] : memref<1048576xi32, #tpu.memory_space<hbm>> -> memref<1024xi32, #tpu.memory_space<hbm>>
      %dma_wait3A_69 = tpu.memref_slice %arg8[%rem3A_57] : memref<3x!tpu.dma_semaphore, #tpu.memory_space<semaphore_mem>> -> memref<1x!tpu.dma_semaphore, #tpu.memory_space<semaphore_mem>>
      %dma_wait3A_70 = tpu.memref_squeeze %dma_wait3A_69 : memref<1x!tpu.dma_semaphore, #tpu.memory_space<semaphore_mem>> -> memref<!tpu.dma_semaphore, #tpu.memory_space<semaphore_mem>>
      %dma_wait3A_71 = tpu.memref_slice %arg6[%mul3A_66] : memref<3072xi32, #tpu.memory_space<vmem>> -> memref<1024xi32, #tpu.memory_space<vmem>>
      %dma_wait3A_72 = tpu.memref_slice %arg2[%add3A_64] : memref<1048576xi32, #tpu.memory_space<hbm>> -> memref<1024xi32, #tpu.memory_space<hbm>>
      tpu.wait_dma2 semaphore(%dma_wait3A_70 : memref<!tpu.dma_semaphore, #tpu.memory_space<semaphore_mem>>) src(%dma_wait3A_72 : memref<1024xi32, #tpu.memory_space<hbm>>) dst(%dma_wait3A_71 : memref<1024xi32, #tpu.memory_space<vmem>>)
      %ge3A = arith.constant 3 : i32
      %ge3A_73 = arith.cmpi sge, %scan3A_56, %ge3A : i32
      %convert_element_type3A_74 = arith.extui %ge3A_73 : i1 to i32
      %cond3A_75 = arith.constant 0 : i32
      %cond3A_76 = arith.cmpi ne, %convert_element_type3A_74, %cond3A_75 : i32
      scf.if %cond3A_76 {
        %sub3A = arith.constant 3 : i32
        %sub3A_94 = arith.subi %scan3A_56, %sub3A : i32
        %mul3A_95 = arith.constant 1024 : i32
        %mul3A_96 = arith.muli %rem3A_57, %mul3A_95 : i32
        %mul3A_97 = arith.constant 32 : i32
        %mul3A_98 = arith.muli %mul3A_96, %mul3A_97 : i32
        %mul3A_99 = arith.constant 1024 : i32
        %mul3A_100 = arith.muli %sub3A_94, %mul3A_99 : i32
        %add3A_101 = arith.addi %mul3A_2, %mul3A_100 : i32
        %mul3A_102 = arith.constant 32 : i32
        %mul3A_103 = arith.muli %add3A_101, %mul3A_102 : i32
        %dma_wait3A_104 = tpu.memref_slice %arg7[%mul3A_98] : memref<98304xf32, #tpu.memory_space<vmem>> -> memref<32768xf32, #tpu.memory_space<vmem>>
        %dma_wait3A_105 = tpu.memref_slice %arg4[%mul3A_103] : memref<33554432xf32, #tpu.memory_space<hbm>> -> memref<32768xf32, #tpu.memory_space<hbm>>
        %dma_wait3A_106 = tpu.memref_slice %arg9[%rem3A_57] : memref<3x!tpu.dma_semaphore, #tpu.memory_space<semaphore_mem>> -> memref<1x!tpu.dma_semaphore, #tpu.memory_space<semaphore_mem>>
        %dma_wait3A_107 = tpu.memref_squeeze %dma_wait3A_106 : memref<1x!tpu.dma_semaphore, #tpu.memory_space<semaphore_mem>> -> memref<!tpu.dma_semaphore, #tpu.memory_space<semaphore_mem>>
        %dma_wait3A_108 = tpu.memref_slice %arg4[%mul3A_103] : memref<33554432xf32, #tpu.memory_space<hbm>> -> memref<32768xf32, #tpu.memory_space<hbm>>
        %dma_wait3A_109 = tpu.memref_slice %arg7[%mul3A_98] : memref<98304xf32, #tpu.memory_space<vmem>> -> memref<32768xf32, #tpu.memory_space<vmem>>
        tpu.wait_dma2 semaphore(%dma_wait3A_107 : memref<!tpu.dma_semaphore, #tpu.memory_space<semaphore_mem>>) src(%dma_wait3A_109 : memref<32768xf32, #tpu.memory_space<vmem>>) dst(%dma_wait3A_108 : memref<32768xf32, #tpu.memory_space<hbm>>)
      } else {
      }
      %parallel_loop3A = arith.constant 0 : i32
      %parallel_loop3A_77 = arith.constant 64 : i32
      %parallel_loop3A_78 = arith.constant 1 : i32
      scf.for %parallel_loop3A_94 = %parallel_loop3A to %parallel_loop3A_77 step %parallel_loop3A_78  : i32 {
        %parallel_loop3A_95 = arith.constant 1024 : i32
        %parallel_loop3A_96 = arith.muli %rem3A_57, %parallel_loop3A_95 : i32
        %parallel_loop3A_97 = arith.constant 16 : i32
        %parallel_loop3A_98 = arith.muli %parallel_loop3A_94, %parallel_loop3A_97 : i32
        %parallel_loop3A_99 = arith.addi %parallel_loop3A_96, %parallel_loop3A_98 : i32
        %parallel_loop3A_100 = arith.index_cast %parallel_loop3A_99 : i32 to index
        %parallel_loop3A_101 = tpu.vector_load %arg6[%parallel_loop3A_100] {strides = array<i32>} : memref<3072xi32, #tpu.memory_space<vmem>>, vector<16xi32>,
        %parallel_loop3A_102 = vector.shape_cast %parallel_loop3A_101 : vector<16xi32> to vector<16xi32>
        %parallel_loop3A_103 = vector.extract_strided_slice %parallel_loop3A_102 {offsets = [0], sizes = [1], strides = [1]} : vector<16xi32> to vector<1xi32>
        %parallel_loop3A_104 = vector.extract %parallel_loop3A_103[0] : i32 from vector<1xi32>
        %parallel_loop3A_105 = arith.constant 32 : i32
        %parallel_loop3A_106 = arith.muli %parallel_loop3A_104, %parallel_loop3A_105 : i32
        %parallel_loop3A_107 = arith.constant 1024 : i32
        %parallel_loop3A_108 = arith.muli %rem3A_57, %parallel_loop3A_107 : i32
        %parallel_loop3A_109 = arith.constant 16 : i32
        %parallel_loop3A_110 = arith.muli %parallel_loop3A_94, %parallel_loop3A_109 : i32
        %parallel_loop3A_111 = arith.addi %parallel_loop3A_108, %parallel_loop3A_110 : i32
        %parallel_loop3A_112 = arith.constant 0 : i32
        %parallel_loop3A_113 = arith.addi %parallel_loop3A_111, %parallel_loop3A_112 : i32
        %parallel_loop3A_114 = arith.constant 32 : i32
        %parallel_loop3A_115 = arith.muli %parallel_loop3A_113, %parallel_loop3A_114 : i32
        %parallel_loop3A_116 = arith.constant 0 : i32
        %parallel_loop3A_117 = arith.addi %parallel_loop3A_106, %parallel_loop3A_116 : i32
        %parallel_loop3A_118 = arith.index_cast %parallel_loop3A_117 : i32 to index
        %parallel_loop3A_119 = tpu.vector_load %arg5[%parallel_loop3A_118] {strides = array<i32>} : memref<1024xf32, #tpu.memory_space<vmem>>, vector<16xf32>,
        %parallel_loop3A_120 = vector.shape_cast %parallel_loop3A_119 : vector<16xf32> to vector<16xf32>
        %parallel_loop3A_121 = arith.constant 0 : i32
        %parallel_loop3A_122 = arith.addi %parallel_loop3A_115, %parallel_loop3A_121 : i32
        %parallel_loop3A_123 = arith.index_cast %parallel_loop3A_122 : i32 to index
        %parallel_loop3A_124 = tpu.vector_load %arg7[%parallel_loop3A_123] {strides = array<i32>} : memref<98304xf32, #tpu.memory_space<vmem>>, vector<16xf32>,
        %parallel_loop3A_125 = vector.shape_cast %parallel_loop3A_124 : vector<16xf32> to vector<16xf32>
        %parallel_loop3A_126 = vector.shape_cast %parallel_loop3A_120 : vector<16xf32> to vector<16xf32>
        tpu.vector_store %arg7[%parallel_loop3A_123], %parallel_loop3A_126 {strides = array<i32>} : memref<98304xf32, #tpu.memory_space<vmem>>, vector<16xf32>,
        %parallel_loop3A_127 = arith.constant 16 : i32
        %parallel_loop3A_128 = arith.addi %parallel_loop3A_106, %parallel_loop3A_127 : i32
        %parallel_loop3A_129 = arith.index_cast %parallel_loop3A_128 : i32 to index
        %parallel_loop3A_130 = tpu.vector_load %arg5[%parallel_loop3A_129] {strides = array<i32>} : memref<1024xf32, #tpu.memory_space<vmem>>, vector<16xf32>,
        %parallel_loop3A_131 = vector.shape_cast %parallel_loop3A_130 : vector<16xf32> to vector<16xf32>
        %parallel_loop3A_132 = arith.constant 16 : i32
        %parallel_loop3A_133 = arith.addi %parallel_loop3A_115, %parallel_loop3A_132 : i32
        %parallel_loop3A_134 = arith.index_cast %parallel_loop3A_133 : i32 to index
        %parallel_loop3A_135 = tpu.vector_load %arg7[%parallel_loop3A_134] {strides = array<i32>} : memref<98304xf32, #tpu.memory_space<vmem>>, vector<16xf32>,
        %parallel_loop3A_136 = vector.shape_cast %parallel_loop3A_135 : vector<16xf32> to vector<16xf32>
        %parallel_loop3A_137 = vector.shape_cast %parallel_loop3A_131 : vector<16xf32> to vector<16xf32>
        tpu.vector_store %arg7[%parallel_loop3A_134], %parallel_loop3A_137 {strides = array<i32>} : memref<98304xf32, #tpu.memory_space<vmem>>, vector<16xf32>,
        %parallel_loop3A_138 = vector.extract_strided_slice %parallel_loop3A_102 {offsets = [1], sizes = [1], strides = [1]} : vector<16xi32> to vector<1xi32>
        %parallel_loop3A_139 = vector.extract %parallel_loop3A_138[0] : i32 from vector<1xi32>
        %parallel_loop3A_140 = arith.constant 32 : i32
        %parallel_loop3A_141 = arith.muli %parallel_loop3A_139, %parallel_loop3A_140 : i32
        %parallel_loop3A_142 = arith.constant 1024 : i32
        %parallel_loop3A_143 = arith.muli %rem3A_57, %parallel_loop3A_142 : i32
        %parallel_loop3A_144 = arith.constant 16 : i32
        %parallel_loop3A_145 = arith.muli %parallel_loop3A_94, %parallel_loop3A_144 : i32
        %parallel_loop3A_146 = arith.addi %parallel_loop3A_143, %parallel_loop3A_145 : i32
        %parallel_loop3A_147 = arith.constant 1 : i32
        %parallel_loop3A_148 = arith.addi %parallel_loop3A_146, %parallel_loop3A_147 : i32
        %parallel_loop3A_149 = arith.constant 32 : i32
        %parallel_loop3A_150 = arith.muli %parallel_loop3A_148, %parallel_loop3A_149 : i32
        %parallel_loop3A_151 = arith.constant 0 : i32
        %parallel_loop3A_152 = arith.addi %parallel_loop3A_141, %parallel_loop3A_151 : i32
        %parallel_loop3A_153 = arith.index_cast %parallel_loop3A_152 : i32 to index
        %parallel_loop3A_154 = tpu.vector_load %arg5[%parallel_loop3A_153] {strides = array<i32>} : memref<1024xf32, #tpu.memory_space<vmem>>, vector<16xf32>,
        %parallel_loop3A_155 = vector.shape_cast %parallel_loop3A_154 : vector<16xf32> to vector<16xf32>
        %parallel_loop3A_156 = arith.constant 0 : i32
        %parallel_loop3A_157 = arith.addi %parallel_loop3A_150, %parallel_loop3A_156 : i32
        %parallel_loop3A_158 = arith.index_cast %parallel_loop3A_157 : i32 to index
        %parallel_loop3A_159 = tpu.vector_load %arg7[%parallel_loop3A_158] {strides = array<i32>} : memref<98304xf32, #tpu.memory_space<vmem>>, vector<16xf32>,
        %parallel_loop3A_160 = vector.shape_cast %parallel_loop3A_159 : vector<16xf32> to vector<16xf32>
        %parallel_loop3A_161 = vector.shape_cast %parallel_loop3A_155 : vector<16xf32> to vector<16xf32>
        tpu.vector_store %arg7[%parallel_loop3A_158], %parallel_loop3A_161 {strides = array<i32>} : memref<98304xf32, #tpu.memory_space<vmem>>, vector<16xf32>,
        %parallel_loop3A_162 = arith.constant 16 : i32
        %parallel_loop3A_163 = arith.addi %parallel_loop3A_141, %parallel_loop3A_162 : i32
        %parallel_loop3A_164 = arith.index_cast %parallel_loop3A_163 : i32 to index
        %parallel_loop3A_165 = tpu.vector_load %arg5[%parallel_loop3A_164] {strides = array<i32>} : memref<1024xf32, #tpu.memory_space<vmem>>, vector<16xf32>,
        %parallel_loop3A_166 = vector.shape_cast %parallel_loop3A_165 : vector<16xf32> to vector<16xf32>
        %parallel_loop3A_167 = arith.constant 16 : i32
        %parallel_loop3A_168 = arith.addi %parallel_loop3A_150, %parallel_loop3A_167 : i32
        %parallel_loop3A_169 = arith.index_cast %parallel_loop3A_168 : i32 to index
        %parallel_loop3A_170 = tpu.vector_load %arg7[%parallel_loop3A_169] {strides = array<i32>} : memref<98304xf32, #tpu.memory_space<vmem>>, vector<16xf32>,
        %parallel_loop3A_171 = vector.shape_cast %parallel_loop3A_170 : vector<16xf32> to vector<16xf32>
        %parallel_loop3A_172 = vector.shape_cast %parallel_loop3A_166 : vector<16xf32> to vector<16xf32>
        tpu.vector_store %arg7[%parallel_loop3A_169], %parallel_loop3A_172 {strides = array<i32>} : memref<98304xf32, #tpu.memory_space<vmem>>, vector<16xf32>,
        %parallel_loop3A_173 = vector.extract_strided_slice %parallel_loop3A_102 {offsets = [2], sizes = [1], strides = [1]} : vector<16xi32> to vector<1xi32>
        %parallel_loop3A_174 = vector.extract %parallel_loop3A_173[0] : i32 from vector<1xi32>
        %parallel_loop3A_175 = arith.constant 32 : i32
        %parallel_loop3A_176 = arith.muli %parallel_loop3A_174, %parallel_loop3A_175 : i32
        %parallel_loop3A_177 = arith.constant 1024 : i32
        %parallel_loop3A_178 = arith.muli %rem3A_57, %parallel_loop3A_177 : i32
        %parallel_loop3A_179 = arith.constant 16 : i32
        %parallel_loop3A_180 = arith.muli %parallel_loop3A_94, %parallel_loop3A_179 : i32
        %parallel_loop3A_181 = arith.addi %parallel_loop3A_178, %parallel_loop3A_180 : i32
        %parallel_loop3A_182 = arith.constant 2 : i32
        %parallel_loop3A_183 = arith.addi %parallel_loop3A_181, %parallel_loop3A_182 : i32
        %parallel_loop3A_184 = arith.constant 32 : i32
        %parallel_loop3A_185 = arith.muli %parallel_loop3A_183, %parallel_loop3A_184 : i32
        %parallel_loop3A_186 = arith.constant 0 : i32
        %parallel_loop3A_187 = arith.addi %parallel_loop3A_176, %parallel_loop3A_186 : i32
        %parallel_loop3A_188 = arith.index_cast %parallel_loop3A_187 : i32 to index
        %parallel_loop3A_189 = tpu.vector_load %arg5[%parallel_loop3A_188] {strides = array<i32>} : memref<1024xf32, #tpu.memory_space<vmem>>, vector<16xf32>,
        %parallel_loop3A_190 = vector.shape_cast %parallel_loop3A_189 : vector<16xf32> to vector<16xf32>
        %parallel_loop3A_191 = arith.constant 0 : i32
        %parallel_loop3A_192 = arith.addi %parallel_loop3A_185, %parallel_loop3A_191 : i32
        %parallel_loop3A_193 = arith.index_cast %parallel_loop3A_192 : i32 to index
        %parallel_loop3A_194 = tpu.vector_load %arg7[%parallel_loop3A_193] {strides = array<i32>} : memref<98304xf32, #tpu.memory_space<vmem>>, vector<16xf32>,
        %parallel_loop3A_195 = vector.shape_cast %parallel_loop3A_194 : vector<16xf32> to vector<16xf32>
        %parallel_loop3A_196 = vector.shape_cast %parallel_loop3A_190 : vector<16xf32> to vector<16xf32>
        tpu.vector_store %arg7[%parallel_loop3A_193], %parallel_loop3A_196 {strides = array<i32>} : memref<98304xf32, #tpu.memory_space<vmem>>, vector<16xf32>,
        %parallel_loop3A_197 = arith.constant 16 : i32
        %parallel_loop3A_198 = arith.addi %parallel_loop3A_176, %parallel_loop3A_197 : i32
        %parallel_loop3A_199 = arith.index_cast %parallel_loop3A_198 : i32 to index
        %parallel_loop3A_200 = tpu.vector_load %arg5[%parallel_loop3A_199] {strides = array<i32>} : memref<1024xf32, #tpu.memory_space<vmem>>, vector<16xf32>,
        %parallel_loop3A_201 = vector.shape_cast %parallel_loop3A_200 : vector<16xf32> to vector<16xf32>
        %parallel_loop3A_202 = arith.constant 16 : i32
        %parallel_loop3A_203 = arith.addi %parallel_loop3A_185, %parallel_loop3A_202 : i32
        %parallel_loop3A_204 = arith.index_cast %parallel_loop3A_203 : i32 to index
        %parallel_loop3A_205 = tpu.vector_load %arg7[%parallel_loop3A_204] {strides = array<i32>} : memref<98304xf32, #tpu.memory_space<vmem>>, vector<16xf32>,
        %parallel_loop3A_206 = vector.shape_cast %parallel_loop3A_205 : vector<16xf32> to vector<16xf32>
        %parallel_loop3A_207 = vector.shape_cast %parallel_loop3A_201 : vector<16xf32> to vector<16xf32>
        tpu.vector_store %arg7[%parallel_loop3A_204], %parallel_loop3A_207 {strides = array<i32>} : memref<98304xf32, #tpu.memory_space<vmem>>, vector<16xf32>,
        %parallel_loop3A_208 = vector.extract_strided_slice %parallel_loop3A_102 {offsets = [3], sizes = [1], strides = [1]} : vector<16xi32> to vector<1xi32>
        %parallel_loop3A_209 = vector.extract %parallel_loop3A_208[0] : i32 from vector<1xi32>
        %parallel_loop3A_210 = arith.constant 32 : i32
        %parallel_loop3A_211 = arith.muli %parallel_loop3A_209, %parallel_loop3A_210 : i32
        %parallel_loop3A_212 = arith.constant 1024 : i32
        %parallel_loop3A_213 = arith.muli %rem3A_57, %parallel_loop3A_212 : i32
        %parallel_loop3A_214 = arith.constant 16 : i32
        %parallel_loop3A_215 = arith.muli %parallel_loop3A_94, %parallel_loop3A_214 : i32
        %parallel_loop3A_216 = arith.addi %parallel_loop3A_213, %parallel_loop3A_215 : i32
        %parallel_loop3A_217 = arith.constant 3 : i32
        %parallel_loop3A_218 = arith.addi %parallel_loop3A_216, %parallel_loop3A_217 : i32
        %parallel_loop3A_219 = arith.constant 32 : i32
        %parallel_loop3A_220 = arith.muli %parallel_loop3A_218, %parallel_loop3A_219 : i32
        %parallel_loop3A_221 = arith.constant 0 : i32
        %parallel_loop3A_222 = arith.addi %parallel_loop3A_211, %parallel_loop3A_221 : i32
        %parallel_loop3A_223 = arith.index_cast %parallel_loop3A_222 : i32 to index
        %parallel_loop3A_224 = tpu.vector_load %arg5[%parallel_loop3A_223] {strides = array<i32>} : memref<1024xf32, #tpu.memory_space<vmem>>, vector<16xf32>,
        %parallel_loop3A_225 = vector.shape_cast %parallel_loop3A_224 : vector<16xf32> to vector<16xf32>
        %parallel_loop3A_226 = arith.constant 0 : i32
        %parallel_loop3A_227 = arith.addi %parallel_loop3A_220, %parallel_loop3A_226 : i32
        %parallel_loop3A_228 = arith.index_cast %parallel_loop3A_227 : i32 to index
        %parallel_loop3A_229 = tpu.vector_load %arg7[%parallel_loop3A_228] {strides = array<i32>} : memref<98304xf32, #tpu.memory_space<vmem>>, vector<16xf32>,
        %parallel_loop3A_230 = vector.shape_cast %parallel_loop3A_229 : vector<16xf32> to vector<16xf32>
        %parallel_loop3A_231 = vector.shape_cast %parallel_loop3A_225 : vector<16xf32> to vector<16xf32>
        tpu.vector_store %arg7[%parallel_loop3A_228], %parallel_loop3A_231 {strides = array<i32>} : memref<98304xf32, #tpu.memory_space<vmem>>, vector<16xf32>,
        %parallel_loop3A_232 = arith.constant 16 : i32
        %parallel_loop3A_233 = arith.addi %parallel_loop3A_211, %parallel_loop3A_232 : i32
        %parallel_loop3A_234 = arith.index_cast %parallel_loop3A_233 : i32 to index
        %parallel_loop3A_235 = tpu.vector_load %arg5[%parallel_loop3A_234] {strides = array<i32>} : memref<1024xf32, #tpu.memory_space<vmem>>, vector<16xf32>,
        %parallel_loop3A_236 = vector.shape_cast %parallel_loop3A_235 : vector<16xf32> to vector<16xf32>
        %parallel_loop3A_237 = arith.constant 16 : i32
        %parallel_loop3A_238 = arith.addi %parallel_loop3A_220, %parallel_loop3A_237 : i32
        %parallel_loop3A_239 = arith.index_cast %parallel_loop3A_238 : i32 to index
        %parallel_loop3A_240 = tpu.vector_load %arg7[%parallel_loop3A_239] {strides = array<i32>} : memref<98304xf32, #tpu.memory_space<vmem>>, vector<16xf32>,
        %parallel_loop3A_241 = vector.shape_cast %parallel_loop3A_240 : vector<16xf32> to vector<16xf32>
        %parallel_loop3A_242 = vector.shape_cast %parallel_loop3A_236 : vector<16xf32> to vector<16xf32>
        tpu.vector_store %arg7[%parallel_loop3A_239], %parallel_loop3A_242 {strides = array<i32>} : memref<98304xf32, #tpu.memory_space<vmem>>, vector<16xf32>,
        %parallel_loop3A_243 = vector.extract_strided_slice %parallel_loop3A_102 {offsets = [4], sizes = [1], strides = [1]} : vector<16xi32> to vector<1xi32>
        %parallel_loop3A_244 = vector.extract %parallel_loop3A_243[0] : i32 from vector<1xi32>
        %parallel_loop3A_245 = arith.constant 32 : i32
        %parallel_loop3A_246 = arith.muli %parallel_loop3A_244, %parallel_loop3A_245 : i32
        %parallel_loop3A_247 = arith.constant 1024 : i32
        %parallel_loop3A_248 = arith.muli %rem3A_57, %parallel_loop3A_247 : i32
        %parallel_loop3A_249 = arith.constant 16 : i32
        %parallel_loop3A_250 = arith.muli %parallel_loop3A_94, %parallel_loop3A_249 : i32
        %parallel_loop3A_251 = arith.addi %parallel_loop3A_248, %parallel_loop3A_250 : i32
        %parallel_loop3A_252 = arith.constant 4 : i32
        %parallel_loop3A_253 = arith.addi %parallel_loop3A_251, %parallel_loop3A_252 : i32
        %parallel_loop3A_254 = arith.constant 32 : i32
        %parallel_loop3A_255 = arith.muli %parallel_loop3A_253, %parallel_loop3A_254 : i32
        %parallel_loop3A_256 = arith.constant 0 : i32
        %parallel_loop3A_257 = arith.addi %parallel_loop3A_246, %parallel_loop3A_256 : i32
        %parallel_loop3A_258 = arith.index_cast %parallel_loop3A_257 : i32 to index
        %parallel_loop3A_259 = tpu.vector_load %arg5[%parallel_loop3A_258] {strides = array<i32>} : memref<1024xf32, #tpu.memory_space<vmem>>, vector<16xf32>,
        %parallel_loop3A_260 = vector.shape_cast %parallel_loop3A_259 : vector<16xf32> to vector<16xf32>
        %parallel_loop3A_261 = arith.constant 0 : i32
        %parallel_loop3A_262 = arith.addi %parallel_loop3A_255, %parallel_loop3A_261 : i32
        %parallel_loop3A_263 = arith.index_cast %parallel_loop3A_262 : i32 to index
        %parallel_loop3A_264 = tpu.vector_load %arg7[%parallel_loop3A_263] {strides = array<i32>} : memref<98304xf32, #tpu.memory_space<vmem>>, vector<16xf32>,
        %parallel_loop3A_265 = vector.shape_cast %parallel_loop3A_264 : vector<16xf32> to vector<16xf32>
        %parallel_loop3A_266 = vector.shape_cast %parallel_loop3A_260 : vector<16xf32> to vector<16xf32>
        tpu.vector_store %arg7[%parallel_loop3A_263], %parallel_loop3A_266 {strides = array<i32>} : memref<98304xf32, #tpu.memory_space<vmem>>, vector<16xf32>,
        %parallel_loop3A_267 = arith.constant 16 : i32
        %parallel_loop3A_268 = arith.addi %parallel_loop3A_246, %parallel_loop3A_267 : i32
        %parallel_loop3A_269 = arith.index_cast %parallel_loop3A_268 : i32 to index
        %parallel_loop3A_270 = tpu.vector_load %arg5[%parallel_loop3A_269] {strides = array<i32>} : memref<1024xf32, #tpu.memory_space<vmem>>, vector<16xf32>,
        %parallel_loop3A_271 = vector.shape_cast %parallel_loop3A_270 : vector<16xf32> to vector<16xf32>
        %parallel_loop3A_272 = arith.constant 16 : i32
        %parallel_loop3A_273 = arith.addi %parallel_loop3A_255, %parallel_loop3A_272 : i32
        %parallel_loop3A_274 = arith.index_cast %parallel_loop3A_273 : i32 to index
        %parallel_loop3A_275 = tpu.vector_load %arg7[%parallel_loop3A_274] {strides = array<i32>} : memref<98304xf32, #tpu.memory_space<vmem>>, vector<16xf32>,
        %parallel_loop3A_276 = vector.shape_cast %parallel_loop3A_275 : vector<16xf32> to vector<16xf32>
        %parallel_loop3A_277 = vector.shape_cast %parallel_loop3A_271 : vector<16xf32> to vector<16xf32>
        tpu.vector_store %arg7[%parallel_loop3A_274], %parallel_loop3A_277 {strides = array<i32>} : memref<98304xf32, #tpu.memory_space<vmem>>, vector<16xf32>,
        %parallel_loop3A_278 = vector.extract_strided_slice %parallel_loop3A_102 {offsets = [5], sizes = [1], strides = [1]} : vector<16xi32> to vector<1xi32>
        %parallel_loop3A_279 = vector.extract %parallel_loop3A_278[0] : i32 from vector<1xi32>
        %parallel_loop3A_280 = arith.constant 32 : i32
        %parallel_loop3A_281 = arith.muli %parallel_loop3A_279, %parallel_loop3A_280 : i32
        %parallel_loop3A_282 = arith.constant 1024 : i32
        %parallel_loop3A_283 = arith.muli %rem3A_57, %parallel_loop3A_282 : i32
        %parallel_loop3A_284 = arith.constant 16 : i32
        %parallel_loop3A_285 = arith.muli %parallel_loop3A_94, %parallel_loop3A_284 : i32
        %parallel_loop3A_286 = arith.addi %parallel_loop3A_283, %parallel_loop3A_285 : i32
        %parallel_loop3A_287 = arith.constant 5 : i32
        %parallel_loop3A_288 = arith.addi %parallel_loop3A_286, %parallel_loop3A_287 : i32
        %parallel_loop3A_289 = arith.constant 32 : i32
        %parallel_loop3A_290 = arith.muli %parallel_loop3A_288, %parallel_loop3A_289 : i32
        %parallel_loop3A_291 = arith.constant 0 : i32
        %parallel_loop3A_292 = arith.addi %parallel_loop3A_281, %parallel_loop3A_291 : i32
        %parallel_loop3A_293 = arith.index_cast %parallel_loop3A_292 : i32 to index
        %parallel_loop3A_294 = tpu.vector_load %arg5[%parallel_loop3A_293] {strides = array<i32>} : memref<1024xf32, #tpu.memory_space<vmem>>, vector<16xf32>,
        %parallel_loop3A_295 = vector.shape_cast %parallel_loop3A_294 : vector<16xf32> to vector<16xf32>
        %parallel_loop3A_296 = arith.constant 0 : i32
        %parallel_loop3A_297 = arith.addi %parallel_loop3A_290, %parallel_loop3A_296 : i32
        %parallel_loop3A_298 = arith.index_cast %parallel_loop3A_297 : i32 to index
        %parallel_loop3A_299 = tpu.vector_load %arg7[%parallel_loop3A_298] {strides = array<i32>} : memref<98304xf32, #tpu.memory_space<vmem>>, vector<16xf32>,
        %parallel_loop3A_300 = vector.shape_cast %parallel_loop3A_299 : vector<16xf32> to vector<16xf32>
        %parallel_loop3A_301 = vector.shape_cast %parallel_loop3A_295 : vector<16xf32> to vector<16xf32>
        tpu.vector_store %arg7[%parallel_loop3A_298], %parallel_loop3A_301 {strides = array<i32>} : memref<98304xf32, #tpu.memory_space<vmem>>, vector<16xf32>,
        %parallel_loop3A_302 = arith.constant 16 : i32
        %parallel_loop3A_303 = arith.addi %parallel_loop3A_281, %parallel_loop3A_302 : i32
        %parallel_loop3A_304 = arith.index_cast %parallel_loop3A_303 : i32 to index
        %parallel_loop3A_305 = tpu.vector_load %arg5[%parallel_loop3A_304] {strides = array<i32>} : memref<1024xf32, #tpu.memory_space<vmem>>, vector<16xf32>,
        %parallel_loop3A_306 = vector.shape_cast %parallel_loop3A_305 : vector<16xf32> to vector<16xf32>
        %parallel_loop3A_307 = arith.constant 16 : i32
        %parallel_loop3A_308 = arith.addi %parallel_loop3A_290, %parallel_loop3A_307 : i32
        %parallel_loop3A_309 = arith.index_cast %parallel_loop3A_308 : i32 to index
        %parallel_loop3A_310 = tpu.vector_load %arg7[%parallel_loop3A_309] {strides = array<i32>} : memref<98304xf32, #tpu.memory_space<vmem>>, vector<16xf32>,
        %parallel_loop3A_311 = vector.shape_cast %parallel_loop3A_310 : vector<16xf32> to vector<16xf32>
        %parallel_loop3A_312 = vector.shape_cast %parallel_loop3A_306 : vector<16xf32> to vector<16xf32>
        tpu.vector_store %arg7[%parallel_loop3A_309], %parallel_loop3A_312 {strides = array<i32>} : memref<98304xf32, #tpu.memory_space<vmem>>, vector<16xf32>,
        %parallel_loop3A_313 = vector.extract_strided_slice %parallel_loop3A_102 {offsets = [6], sizes = [1], strides = [1]} : vector<16xi32> to vector<1xi32>
        %parallel_loop3A_314 = vector.extract %parallel_loop3A_313[0] : i32 from vector<1xi32>
        %parallel_loop3A_315 = arith.constant 32 : i32
        %parallel_loop3A_316 = arith.muli %parallel_loop3A_314, %parallel_loop3A_315 : i32
        %parallel_loop3A_317 = arith.constant 1024 : i32
        %parallel_loop3A_318 = arith.muli %rem3A_57, %parallel_loop3A_317 : i32
        %parallel_loop3A_319 = arith.constant 16 : i32
        %parallel_loop3A_320 = arith.muli %parallel_loop3A_94, %parallel_loop3A_319 : i32
        %parallel_loop3A_321 = arith.addi %parallel_loop3A_318, %parallel_loop3A_320 : i32
        %parallel_loop3A_322 = arith.constant 6 : i32
        %parallel_loop3A_323 = arith.addi %parallel_loop3A_321, %parallel_loop3A_322 : i32
        %parallel_loop3A_324 = arith.constant 32 : i32
        %parallel_loop3A_325 = arith.muli %parallel_loop3A_323, %parallel_loop3A_324 : i32
        %parallel_loop3A_326 = arith.constant 0 : i32
        %parallel_loop3A_327 = arith.addi %parallel_loop3A_316, %parallel_loop3A_326 : i32
        %parallel_loop3A_328 = arith.index_cast %parallel_loop3A_327 : i32 to index
        %parallel_loop3A_329 = tpu.vector_load %arg5[%parallel_loop3A_328] {strides = array<i32>} : memref<1024xf32, #tpu.memory_space<vmem>>, vector<16xf32>,
        %parallel_loop3A_330 = vector.shape_cast %parallel_loop3A_329 : vector<16xf32> to vector<16xf32>
        %parallel_loop3A_331 = arith.constant 0 : i32
        %parallel_loop3A_332 = arith.addi %parallel_loop3A_325, %parallel_loop3A_331 : i32
        %parallel_loop3A_333 = arith.index_cast %parallel_loop3A_332 : i32 to index
        %parallel_loop3A_334 = tpu.vector_load %arg7[%parallel_loop3A_333] {strides = array<i32>} : memref<98304xf32, #tpu.memory_space<vmem>>, vector<16xf32>,
        %parallel_loop3A_335 = vector.shape_cast %parallel_loop3A_334 : vector<16xf32> to vector<16xf32>
        %parallel_loop3A_336 = vector.shape_cast %parallel_loop3A_330 : vector<16xf32> to vector<16xf32>
        tpu.vector_store %arg7[%parallel_loop3A_333], %parallel_loop3A_336 {strides = array<i32>} : memref<98304xf32, #tpu.memory_space<vmem>>, vector<16xf32>,
        %parallel_loop3A_337 = arith.constant 16 : i32
        %parallel_loop3A_338 = arith.addi %parallel_loop3A_316, %parallel_loop3A_337 : i32
        %parallel_loop3A_339 = arith.index_cast %parallel_loop3A_338 : i32 to index
        %parallel_loop3A_340 = tpu.vector_load %arg5[%parallel_loop3A_339] {strides = array<i32>} : memref<1024xf32, #tpu.memory_space<vmem>>, vector<16xf32>,
        %parallel_loop3A_341 = vector.shape_cast %parallel_loop3A_340 : vector<16xf32> to vector<16xf32>
        %parallel_loop3A_342 = arith.constant 16 : i32
        %parallel_loop3A_343 = arith.addi %parallel_loop3A_325, %parallel_loop3A_342 : i32
        %parallel_loop3A_344 = arith.index_cast %parallel_loop3A_343 : i32 to index
        %parallel_loop3A_345 = tpu.vector_load %arg7[%parallel_loop3A_344] {strides = array<i32>} : memref<98304xf32, #tpu.memory_space<vmem>>, vector<16xf32>,
        %parallel_loop3A_346 = vector.shape_cast %parallel_loop3A_345 : vector<16xf32> to vector<16xf32>
        %parallel_loop3A_347 = vector.shape_cast %parallel_loop3A_341 : vector<16xf32> to vector<16xf32>
        tpu.vector_store %arg7[%parallel_loop3A_344], %parallel_loop3A_347 {strides = array<i32>} : memref<98304xf32, #tpu.memory_space<vmem>>, vector<16xf32>,
        %parallel_loop3A_348 = vector.extract_strided_slice %parallel_loop3A_102 {offsets = [7], sizes = [1], strides = [1]} : vector<16xi32> to vector<1xi32>
        %parallel_loop3A_349 = vector.extract %parallel_loop3A_348[0] : i32 from vector<1xi32>
        %parallel_loop3A_350 = arith.constant 32 : i32
        %parallel_loop3A_351 = arith.muli %parallel_loop3A_349, %parallel_loop3A_350 : i32
        %parallel_loop3A_352 = arith.constant 1024 : i32
        %parallel_loop3A_353 = arith.muli %rem3A_57, %parallel_loop3A_352 : i32
        %parallel_loop3A_354 = arith.constant 16 : i32
        %parallel_loop3A_355 = arith.muli %parallel_loop3A_94, %parallel_loop3A_354 : i32
        %parallel_loop3A_356 = arith.addi %parallel_loop3A_353, %parallel_loop3A_355 : i32
        %parallel_loop3A_357 = arith.constant 7 : i32
        %parallel_loop3A_358 = arith.addi %parallel_loop3A_356, %parallel_loop3A_357 : i32
        %parallel_loop3A_359 = arith.constant 32 : i32
        %parallel_loop3A_360 = arith.muli %parallel_loop3A_358, %parallel_loop3A_359 : i32
        %parallel_loop3A_361 = arith.constant 0 : i32
        %parallel_loop3A_362 = arith.addi %parallel_loop3A_351, %parallel_loop3A_361 : i32
        %parallel_loop3A_363 = arith.index_cast %parallel_loop3A_362 : i32 to index
        %parallel_loop3A_364 = tpu.vector_load %arg5[%parallel_loop3A_363] {strides = array<i32>} : memref<1024xf32, #tpu.memory_space<vmem>>, vector<16xf32>,
        %parallel_loop3A_365 = vector.shape_cast %parallel_loop3A_364 : vector<16xf32> to vector<16xf32>
        %parallel_loop3A_366 = arith.constant 0 : i32
        %parallel_loop3A_367 = arith.addi %parallel_loop3A_360, %parallel_loop3A_366 : i32
        %parallel_loop3A_368 = arith.index_cast %parallel_loop3A_367 : i32 to index
        %parallel_loop3A_369 = tpu.vector_load %arg7[%parallel_loop3A_368] {strides = array<i32>} : memref<98304xf32, #tpu.memory_space<vmem>>, vector<16xf32>,
        %parallel_loop3A_370 = vector.shape_cast %parallel_loop3A_369 : vector<16xf32> to vector<16xf32>
        %parallel_loop3A_371 = vector.shape_cast %parallel_loop3A_365 : vector<16xf32> to vector<16xf32>
        tpu.vector_store %arg7[%parallel_loop3A_368], %parallel_loop3A_371 {strides = array<i32>} : memref<98304xf32, #tpu.memory_space<vmem>>, vector<16xf32>,
        %parallel_loop3A_372 = arith.constant 16 : i32
        %parallel_loop3A_373 = arith.addi %parallel_loop3A_351, %parallel_loop3A_372 : i32
        %parallel_loop3A_374 = arith.index_cast %parallel_loop3A_373 : i32 to index
        %parallel_loop3A_375 = tpu.vector_load %arg5[%parallel_loop3A_374] {strides = array<i32>} : memref<1024xf32, #tpu.memory_space<vmem>>, vector<16xf32>,
        %parallel_loop3A_376 = vector.shape_cast %parallel_loop3A_375 : vector<16xf32> to vector<16xf32>
        %parallel_loop3A_377 = arith.constant 16 : i32
        %parallel_loop3A_378 = arith.addi %parallel_loop3A_360, %parallel_loop3A_377 : i32
        %parallel_loop3A_379 = arith.index_cast %parallel_loop3A_378 : i32 to index
        %parallel_loop3A_380 = tpu.vector_load %arg7[%parallel_loop3A_379] {strides = array<i32>} : memref<98304xf32, #tpu.memory_space<vmem>>, vector<16xf32>,
        %parallel_loop3A_381 = vector.shape_cast %parallel_loop3A_380 : vector<16xf32> to vector<16xf32>
        %parallel_loop3A_382 = vector.shape_cast %parallel_loop3A_376 : vector<16xf32> to vector<16xf32>
        tpu.vector_store %arg7[%parallel_loop3A_379], %parallel_loop3A_382 {strides = array<i32>} : memref<98304xf32, #tpu.memory_space<vmem>>, vector<16xf32>,
        %parallel_loop3A_383 = vector.extract_strided_slice %parallel_loop3A_102 {offsets = [8], sizes = [1], strides = [1]} : vector<16xi32> to vector<1xi32>
        %parallel_loop3A_384 = vector.extract %parallel_loop3A_383[0] : i32 from vector<1xi32>
        %parallel_loop3A_385 = arith.constant 32 : i32
        %parallel_loop3A_386 = arith.muli %parallel_loop3A_384, %parallel_loop3A_385 : i32
        %parallel_loop3A_387 = arith.constant 1024 : i32
        %parallel_loop3A_388 = arith.muli %rem3A_57, %parallel_loop3A_387 : i32
        %parallel_loop3A_389 = arith.constant 16 : i32
        %parallel_loop3A_390 = arith.muli %parallel_loop3A_94, %parallel_loop3A_389 : i32
        %parallel_loop3A_391 = arith.addi %parallel_loop3A_388, %parallel_loop3A_390 : i32
        %parallel_loop3A_392 = arith.constant 8 : i32
        %parallel_loop3A_393 = arith.addi %parallel_loop3A_391, %parallel_loop3A_392 : i32
        %parallel_loop3A_394 = arith.constant 32 : i32
        %parallel_loop3A_395 = arith.muli %parallel_loop3A_393, %parallel_loop3A_394 : i32
        %parallel_loop3A_396 = arith.constant 0 : i32
        %parallel_loop3A_397 = arith.addi %parallel_loop3A_386, %parallel_loop3A_396 : i32
        %parallel_loop3A_398 = arith.index_cast %parallel_loop3A_397 : i32 to index
        %parallel_loop3A_399 = tpu.vector_load %arg5[%parallel_loop3A_398] {strides = array<i32>} : memref<1024xf32, #tpu.memory_space<vmem>>, vector<16xf32>,
        %parallel_loop3A_400 = vector.shape_cast %parallel_loop3A_399 : vector<16xf32> to vector<16xf32>
        %parallel_loop3A_401 = arith.constant 0 : i32
        %parallel_loop3A_402 = arith.addi %parallel_loop3A_395, %parallel_loop3A_401 : i32
        %parallel_loop3A_403 = arith.index_cast %parallel_loop3A_402 : i32 to index
        %parallel_loop3A_404 = tpu.vector_load %arg7[%parallel_loop3A_403] {strides = array<i32>} : memref<98304xf32, #tpu.memory_space<vmem>>, vector<16xf32>,
        %parallel_loop3A_405 = vector.shape_cast %parallel_loop3A_404 : vector<16xf32> to vector<16xf32>
        %parallel_loop3A_406 = vector.shape_cast %parallel_loop3A_400 : vector<16xf32> to vector<16xf32>
        tpu.vector_store %arg7[%parallel_loop3A_403], %parallel_loop3A_406 {strides = array<i32>} : memref<98304xf32, #tpu.memory_space<vmem>>, vector<16xf32>,
        %parallel_loop3A_407 = arith.constant 16 : i32
        %parallel_loop3A_408 = arith.addi %parallel_loop3A_386, %parallel_loop3A_407 : i32
        %parallel_loop3A_409 = arith.index_cast %parallel_loop3A_408 : i32 to index
        %parallel_loop3A_410 = tpu.vector_load %arg5[%parallel_loop3A_409] {strides = array<i32>} : memref<1024xf32, #tpu.memory_space<vmem>>, vector<16xf32>,
        %parallel_loop3A_411 = vector.shape_cast %parallel_loop3A_410 : vector<16xf32> to vector<16xf32>
        %parallel_loop3A_412 = arith.constant 16 : i32
        %parallel_loop3A_413 = arith.addi %parallel_loop3A_395, %parallel_loop3A_412 : i32
        %parallel_loop3A_414 = arith.index_cast %parallel_loop3A_413 : i32 to index
        %parallel_loop3A_415 = tpu.vector_load %arg7[%parallel_loop3A_414] {strides = array<i32>} : memref<98304xf32, #tpu.memory_space<vmem>>, vector<16xf32>,
        %parallel_loop3A_416 = vector.shape_cast %parallel_loop3A_415 : vector<16xf32> to vector<16xf32>
        %parallel_loop3A_417 = vector.shape_cast %parallel_loop3A_411 : vector<16xf32> to vector<16xf32>
        tpu.vector_store %arg7[%parallel_loop3A_414], %parallel_loop3A_417 {strides = array<i32>} : memref<98304xf32, #tpu.memory_space<vmem>>, vector<16xf32>,
        %parallel_loop3A_418 = vector.extract_strided_slice %parallel_loop3A_102 {offsets = [9], sizes = [1], strides = [1]} : vector<16xi32> to vector<1xi32>
        %parallel_loop3A_419 = vector.extract %parallel_loop3A_418[0] : i32 from vector<1xi32>
        %parallel_loop3A_420 = arith.constant 32 : i32
        %parallel_loop3A_421 = arith.muli %parallel_loop3A_419, %parallel_loop3A_420 : i32
        %parallel_loop3A_422 = arith.constant 1024 : i32
        %parallel_loop3A_423 = arith.muli %rem3A_57, %parallel_loop3A_422 : i32
        %parallel_loop3A_424 = arith.constant 16 : i32
        %parallel_loop3A_425 = arith.muli %parallel_loop3A_94, %parallel_loop3A_424 : i32
        %parallel_loop3A_426 = arith.addi %parallel_loop3A_423, %parallel_loop3A_425 : i32
        %parallel_loop3A_427 = arith.constant 9 : i32
        %parallel_loop3A_428 = arith.addi %parallel_loop3A_426, %parallel_loop3A_427 : i32
        %parallel_loop3A_429 = arith.constant 32 : i32
        %parallel_loop3A_430 = arith.muli %parallel_loop3A_428, %parallel_loop3A_429 : i32
        %parallel_loop3A_431 = arith.constant 0 : i32
        %parallel_loop3A_432 = arith.addi %parallel_loop3A_421, %parallel_loop3A_431 : i32
        %parallel_loop3A_433 = arith.index_cast %parallel_loop3A_432 : i32 to index
        %parallel_loop3A_434 = tpu.vector_load %arg5[%parallel_loop3A_433] {strides = array<i32>} : memref<1024xf32, #tpu.memory_space<vmem>>, vector<16xf32>,
        %parallel_loop3A_435 = vector.shape_cast %parallel_loop3A_434 : vector<16xf32> to vector<16xf32>
        %parallel_loop3A_436 = arith.constant 0 : i32
        %parallel_loop3A_437 = arith.addi %parallel_loop3A_430, %parallel_loop3A_436 : i32
        %parallel_loop3A_438 = arith.index_cast %parallel_loop3A_437 : i32 to index
        %parallel_loop3A_439 = tpu.vector_load %arg7[%parallel_loop3A_438] {strides = array<i32>} : memref<98304xf32, #tpu.memory_space<vmem>>, vector<16xf32>,
        %parallel_loop3A_440 = vector.shape_cast %parallel_loop3A_439 : vector<16xf32> to vector<16xf32>
        %parallel_loop3A_441 = vector.shape_cast %parallel_loop3A_435 : vector<16xf32> to vector<16xf32>
        tpu.vector_store %arg7[%parallel_loop3A_438], %parallel_loop3A_441 {strides = array<i32>} : memref<98304xf32, #tpu.memory_space<vmem>>, vector<16xf32>,
        %parallel_loop3A_442 = arith.constant 16 : i32
        %parallel_loop3A_443 = arith.addi %parallel_loop3A_421, %parallel_loop3A_442 : i32
        %parallel_loop3A_444 = arith.index_cast %parallel_loop3A_443 : i32 to index
        %parallel_loop3A_445 = tpu.vector_load %arg5[%parallel_loop3A_444] {strides = array<i32>} : memref<1024xf32, #tpu.memory_space<vmem>>, vector<16xf32>,
        %parallel_loop3A_446 = vector.shape_cast %parallel_loop3A_445 : vector<16xf32> to vector<16xf32>
        %parallel_loop3A_447 = arith.constant 16 : i32
        %parallel_loop3A_448 = arith.addi %parallel_loop3A_430, %parallel_loop3A_447 : i32
        %parallel_loop3A_449 = arith.index_cast %parallel_loop3A_448 : i32 to index
        %parallel_loop3A_450 = tpu.vector_load %arg7[%parallel_loop3A_449] {strides = array<i32>} : memref<98304xf32, #tpu.memory_space<vmem>>, vector<16xf32>,
        %parallel_loop3A_451 = vector.shape_cast %parallel_loop3A_450 : vector<16xf32> to vector<16xf32>
        %parallel_loop3A_452 = vector.shape_cast %parallel_loop3A_446 : vector<16xf32> to vector<16xf32>
        tpu.vector_store %arg7[%parallel_loop3A_449], %parallel_loop3A_452 {strides = array<i32>} : memref<98304xf32, #tpu.memory_space<vmem>>, vector<16xf32>,
        %parallel_loop3A_453 = vector.extract_strided_slice %parallel_loop3A_102 {offsets = [10], sizes = [1], strides = [1]} : vector<16xi32> to vector<1xi32>
        %parallel_loop3A_454 = vector.extract %parallel_loop3A_453[0] : i32 from vector<1xi32>
        %parallel_loop3A_455 = arith.constant 32 : i32
        %parallel_loop3A_456 = arith.muli %parallel_loop3A_454, %parallel_loop3A_455 : i32
        %parallel_loop3A_457 = arith.constant 1024 : i32
        %parallel_loop3A_458 = arith.muli %rem3A_57, %parallel_loop3A_457 : i32
        %parallel_loop3A_459 = arith.constant 16 : i32
        %parallel_loop3A_460 = arith.muli %parallel_loop3A_94, %parallel_loop3A_459 : i32
        %parallel_loop3A_461 = arith.addi %parallel_loop3A_458, %parallel_loop3A_460 : i32
        %parallel_loop3A_462 = arith.constant 10 : i32
        %parallel_loop3A_463 = arith.addi %parallel_loop3A_461, %parallel_loop3A_462 : i32
        %parallel_loop3A_464 = arith.constant 32 : i32
        %parallel_loop3A_465 = arith.muli %parallel_loop3A_463, %parallel_loop3A_464 : i32
        %parallel_loop3A_466 = arith.constant 0 : i32
        %parallel_loop3A_467 = arith.addi %parallel_loop3A_456, %parallel_loop3A_466 : i32
        %parallel_loop3A_468 = arith.index_cast %parallel_loop3A_467 : i32 to index
        %parallel_loop3A_469 = tpu.vector_load %arg5[%parallel_loop3A_468] {strides = array<i32>} : memref<1024xf32, #tpu.memory_space<vmem>>, vector<16xf32>,
        %parallel_loop3A_470 = vector.shape_cast %parallel_loop3A_469 : vector<16xf32> to vector<16xf32>
        %parallel_loop3A_471 = arith.constant 0 : i32
        %parallel_loop3A_472 = arith.addi %parallel_loop3A_465, %parallel_loop3A_471 : i32
        %parallel_loop3A_473 = arith.index_cast %parallel_loop3A_472 : i32 to index
        %parallel_loop3A_474 = tpu.vector_load %arg7[%parallel_loop3A_473] {strides = array<i32>} : memref<98304xf32, #tpu.memory_space<vmem>>, vector<16xf32>,
        %parallel_loop3A_475 = vector.shape_cast %parallel_loop3A_474 : vector<16xf32> to vector<16xf32>
        %parallel_loop3A_476 = vector.shape_cast %parallel_loop3A_470 : vector<16xf32> to vector<16xf32>
        tpu.vector_store %arg7[%parallel_loop3A_473], %parallel_loop3A_476 {strides = array<i32>} : memref<98304xf32, #tpu.memory_space<vmem>>, vector<16xf32>,
        %parallel_loop3A_477 = arith.constant 16 : i32
        %parallel_loop3A_478 = arith.addi %parallel_loop3A_456, %parallel_loop3A_477 : i32
        %parallel_loop3A_479 = arith.index_cast %parallel_loop3A_478 : i32 to index
        %parallel_loop3A_480 = tpu.vector_load %arg5[%parallel_loop3A_479] {strides = array<i32>} : memref<1024xf32, #tpu.memory_space<vmem>>, vector<16xf32>,
        %parallel_loop3A_481 = vector.shape_cast %parallel_loop3A_480 : vector<16xf32> to vector<16xf32>
        %parallel_loop3A_482 = arith.constant 16 : i32
        %parallel_loop3A_483 = arith.addi %parallel_loop3A_465, %parallel_loop3A_482 : i32
        %parallel_loop3A_484 = arith.index_cast %parallel_loop3A_483 : i32 to index
        %parallel_loop3A_485 = tpu.vector_load %arg7[%parallel_loop3A_484] {strides = array<i32>} : memref<98304xf32, #tpu.memory_space<vmem>>, vector<16xf32>,
        %parallel_loop3A_486 = vector.shape_cast %parallel_loop3A_485 : vector<16xf32> to vector<16xf32>
        %parallel_loop3A_487 = vector.shape_cast %parallel_loop3A_481 : vector<16xf32> to vector<16xf32>
        tpu.vector_store %arg7[%parallel_loop3A_484], %parallel_loop3A_487 {strides = array<i32>} : memref<98304xf32, #tpu.memory_space<vmem>>, vector<16xf32>,
        %parallel_loop3A_488 = vector.extract_strided_slice %parallel_loop3A_102 {offsets = [11], sizes = [1], strides = [1]} : vector<16xi32> to vector<1xi32>
        %parallel_loop3A_489 = vector.extract %parallel_loop3A_488[0] : i32 from vector<1xi32>
        %parallel_loop3A_490 = arith.constant 32 : i32
        %parallel_loop3A_491 = arith.muli %parallel_loop3A_489, %parallel_loop3A_490 : i32
        %parallel_loop3A_492 = arith.constant 1024 : i32
        %parallel_loop3A_493 = arith.muli %rem3A_57, %parallel_loop3A_492 : i32
        %parallel_loop3A_494 = arith.constant 16 : i32
        %parallel_loop3A_495 = arith.muli %parallel_loop3A_94, %parallel_loop3A_494 : i32
        %parallel_loop3A_496 = arith.addi %parallel_loop3A_493, %parallel_loop3A_495 : i32
        %parallel_loop3A_497 = arith.constant 11 : i32
        %parallel_loop3A_498 = arith.addi %parallel_loop3A_496, %parallel_loop3A_497 : i32
        %parallel_loop3A_499 = arith.constant 32 : i32
        %parallel_loop3A_500 = arith.muli %parallel_loop3A_498, %parallel_loop3A_499 : i32
        %parallel_loop3A_501 = arith.constant 0 : i32
        %parallel_loop3A_502 = arith.addi %parallel_loop3A_491, %parallel_loop3A_501 : i32
        %parallel_loop3A_503 = arith.index_cast %parallel_loop3A_502 : i32 to index
        %parallel_loop3A_504 = tpu.vector_load %arg5[%parallel_loop3A_503] {strides = array<i32>} : memref<1024xf32, #tpu.memory_space<vmem>>, vector<16xf32>,
        %parallel_loop3A_505 = vector.shape_cast %parallel_loop3A_504 : vector<16xf32> to vector<16xf32>
        %parallel_loop3A_506 = arith.constant 0 : i32
        %parallel_loop3A_507 = arith.addi %parallel_loop3A_500, %parallel_loop3A_506 : i32
        %parallel_loop3A_508 = arith.index_cast %parallel_loop3A_507 : i32 to index
        %parallel_loop3A_509 = tpu.vector_load %arg7[%parallel_loop3A_508] {strides = array<i32>} : memref<98304xf32, #tpu.memory_space<vmem>>, vector<16xf32>,
        %parallel_loop3A_510 = vector.shape_cast %parallel_loop3A_509 : vector<16xf32> to vector<16xf32>
        %parallel_loop3A_511 = vector.shape_cast %parallel_loop3A_505 : vector<16xf32> to vector<16xf32>
        tpu.vector_store %arg7[%parallel_loop3A_508], %parallel_loop3A_511 {strides = array<i32>} : memref<98304xf32, #tpu.memory_space<vmem>>, vector<16xf32>,
        %parallel_loop3A_512 = arith.constant 16 : i32
        %parallel_loop3A_513 = arith.addi %parallel_loop3A_491, %parallel_loop3A_512 : i32
        %parallel_loop3A_514 = arith.index_cast %parallel_loop3A_513 : i32 to index
        %parallel_loop3A_515 = tpu.vector_load %arg5[%parallel_loop3A_514] {strides = array<i32>} : memref<1024xf32, #tpu.memory_space<vmem>>, vector<16xf32>,
        %parallel_loop3A_516 = vector.shape_cast %parallel_loop3A_515 : vector<16xf32> to vector<16xf32>
        %parallel_loop3A_517 = arith.constant 16 : i32
        %parallel_loop3A_518 = arith.addi %parallel_loop3A_500, %parallel_loop3A_517 : i32
        %parallel_loop3A_519 = arith.index_cast %parallel_loop3A_518 : i32 to index
        %parallel_loop3A_520 = tpu.vector_load %arg7[%parallel_loop3A_519] {strides = array<i32>} : memref<98304xf32, #tpu.memory_space<vmem>>, vector<16xf32>,
        %parallel_loop3A_521 = vector.shape_cast %parallel_loop3A_520 : vector<16xf32> to vector<16xf32>
        %parallel_loop3A_522 = vector.shape_cast %parallel_loop3A_516 : vector<16xf32> to vector<16xf32>
        tpu.vector_store %arg7[%parallel_loop3A_519], %parallel_loop3A_522 {strides = array<i32>} : memref<98304xf32, #tpu.memory_space<vmem>>, vector<16xf32>,
        %parallel_loop3A_523 = vector.extract_strided_slice %parallel_loop3A_102 {offsets = [12], sizes = [1], strides = [1]} : vector<16xi32> to vector<1xi32>
        %parallel_loop3A_524 = vector.extract %parallel_loop3A_523[0] : i32 from vector<1xi32>
        %parallel_loop3A_525 = arith.constant 32 : i32
        %parallel_loop3A_526 = arith.muli %parallel_loop3A_524, %parallel_loop3A_525 : i32
        %parallel_loop3A_527 = arith.constant 1024 : i32
        %parallel_loop3A_528 = arith.muli %rem3A_57, %parallel_loop3A_527 : i32
        %parallel_loop3A_529 = arith.constant 16 : i32
        %parallel_loop3A_530 = arith.muli %parallel_loop3A_94, %parallel_loop3A_529 : i32
        %parallel_loop3A_531 = arith.addi %parallel_loop3A_528, %parallel_loop3A_530 : i32
        %parallel_loop3A_532 = arith.constant 12 : i32
        %parallel_loop3A_533 = arith.addi %parallel_loop3A_531, %parallel_loop3A_532 : i32
        %parallel_loop3A_534 = arith.constant 32 : i32
        %parallel_loop3A_535 = arith.muli %parallel_loop3A_533, %parallel_loop3A_534 : i32
        %parallel_loop3A_536 = arith.constant 0 : i32
        %parallel_loop3A_537 = arith.addi %parallel_loop3A_526, %parallel_loop3A_536 : i32
        %parallel_loop3A_538 = arith.index_cast %parallel_loop3A_537 : i32 to index
        %parallel_loop3A_539 = tpu.vector_load %arg5[%parallel_loop3A_538] {strides = array<i32>} : memref<1024xf32, #tpu.memory_space<vmem>>, vector<16xf32>,
        %parallel_loop3A_540 = vector.shape_cast %parallel_loop3A_539 : vector<16xf32> to vector<16xf32>
        %parallel_loop3A_541 = arith.constant 0 : i32
        %parallel_loop3A_542 = arith.addi %parallel_loop3A_535, %parallel_loop3A_541 : i32
        %parallel_loop3A_543 = arith.index_cast %parallel_loop3A_542 : i32 to index
        %parallel_loop3A_544 = tpu.vector_load %arg7[%parallel_loop3A_543] {strides = array<i32>} : memref<98304xf32, #tpu.memory_space<vmem>>, vector<16xf32>,
        %parallel_loop3A_545 = vector.shape_cast %parallel_loop3A_544 : vector<16xf32> to vector<16xf32>
        %parallel_loop3A_546 = vector.shape_cast %parallel_loop3A_540 : vector<16xf32> to vector<16xf32>
        tpu.vector_store %arg7[%parallel_loop3A_543], %parallel_loop3A_546 {strides = array<i32>} : memref<98304xf32, #tpu.memory_space<vmem>>, vector<16xf32>,
        %parallel_loop3A_547 = arith.constant 16 : i32
        %parallel_loop3A_548 = arith.addi %parallel_loop3A_526, %parallel_loop3A_547 : i32
        %parallel_loop3A_549 = arith.index_cast %parallel_loop3A_548 : i32 to index
        %parallel_loop3A_550 = tpu.vector_load %arg5[%parallel_loop3A_549] {strides = array<i32>} : memref<1024xf32, #tpu.memory_space<vmem>>, vector<16xf32>,
        %parallel_loop3A_551 = vector.shape_cast %parallel_loop3A_550 : vector<16xf32> to vector<16xf32>
        %parallel_loop3A_552 = arith.constant 16 : i32
        %parallel_loop3A_553 = arith.addi %parallel_loop3A_535, %parallel_loop3A_552 : i32
        %parallel_loop3A_554 = arith.index_cast %parallel_loop3A_553 : i32 to index
        %parallel_loop3A_555 = tpu.vector_load %arg7[%parallel_loop3A_554] {strides = array<i32>} : memref<98304xf32, #tpu.memory_space<vmem>>, vector<16xf32>,
        %parallel_loop3A_556 = vector.shape_cast %parallel_loop3A_555 : vector<16xf32> to vector<16xf32>
        %parallel_loop3A_557 = vector.shape_cast %parallel_loop3A_551 : vector<16xf32> to vector<16xf32>
        tpu.vector_store %arg7[%parallel_loop3A_554], %parallel_loop3A_557 {strides = array<i32>} : memref<98304xf32, #tpu.memory_space<vmem>>, vector<16xf32>,
        %parallel_loop3A_558 = vector.extract_strided_slice %parallel_loop3A_102 {offsets = [13], sizes = [1], strides = [1]} : vector<16xi32> to vector<1xi32>
        %parallel_loop3A_559 = vector.extract %parallel_loop3A_558[0] : i32 from vector<1xi32>
        %parallel_loop3A_560 = arith.constant 32 : i32
        %parallel_loop3A_561 = arith.muli %parallel_loop3A_559, %parallel_loop3A_560 : i32
        %parallel_loop3A_562 = arith.constant 1024 : i32
        %parallel_loop3A_563 = arith.muli %rem3A_57, %parallel_loop3A_562 : i32
        %parallel_loop3A_564 = arith.constant 16 : i32
        %parallel_loop3A_565 = arith.muli %parallel_loop3A_94, %parallel_loop3A_564 : i32
        %parallel_loop3A_566 = arith.addi %parallel_loop3A_563, %parallel_loop3A_565 : i32
        %parallel_loop3A_567 = arith.constant 13 : i32
        %parallel_loop3A_568 = arith.addi %parallel_loop3A_566, %parallel_loop3A_567 : i32
        %parallel_loop3A_569 = arith.constant 32 : i32
        %parallel_loop3A_570 = arith.muli %parallel_loop3A_568, %parallel_loop3A_569 : i32
        %parallel_loop3A_571 = arith.constant 0 : i32
        %parallel_loop3A_572 = arith.addi %parallel_loop3A_561, %parallel_loop3A_571 : i32
        %parallel_loop3A_573 = arith.index_cast %parallel_loop3A_572 : i32 to index
        %parallel_loop3A_574 = tpu.vector_load %arg5[%parallel_loop3A_573] {strides = array<i32>} : memref<1024xf32, #tpu.memory_space<vmem>>, vector<16xf32>,
        %parallel_loop3A_575 = vector.shape_cast %parallel_loop3A_574 : vector<16xf32> to vector<16xf32>
        %parallel_loop3A_576 = arith.constant 0 : i32
        %parallel_loop3A_577 = arith.addi %parallel_loop3A_570, %parallel_loop3A_576 : i32
        %parallel_loop3A_578 = arith.index_cast %parallel_loop3A_577 : i32 to index
        %parallel_loop3A_579 = tpu.vector_load %arg7[%parallel_loop3A_578] {strides = array<i32>} : memref<98304xf32, #tpu.memory_space<vmem>>, vector<16xf32>,
        %parallel_loop3A_580 = vector.shape_cast %parallel_loop3A_579 : vector<16xf32> to vector<16xf32>
        %parallel_loop3A_581 = vector.shape_cast %parallel_loop3A_575 : vector<16xf32> to vector<16xf32>
        tpu.vector_store %arg7[%parallel_loop3A_578], %parallel_loop3A_581 {strides = array<i32>} : memref<98304xf32, #tpu.memory_space<vmem>>, vector<16xf32>,
        %parallel_loop3A_582 = arith.constant 16 : i32
        %parallel_loop3A_583 = arith.addi %parallel_loop3A_561, %parallel_loop3A_582 : i32
        %parallel_loop3A_584 = arith.index_cast %parallel_loop3A_583 : i32 to index
        %parallel_loop3A_585 = tpu.vector_load %arg5[%parallel_loop3A_584] {strides = array<i32>} : memref<1024xf32, #tpu.memory_space<vmem>>, vector<16xf32>,
        %parallel_loop3A_586 = vector.shape_cast %parallel_loop3A_585 : vector<16xf32> to vector<16xf32>
        %parallel_loop3A_587 = arith.constant 16 : i32
        %parallel_loop3A_588 = arith.addi %parallel_loop3A_570, %parallel_loop3A_587 : i32
        %parallel_loop3A_589 = arith.index_cast %parallel_loop3A_588 : i32 to index
        %parallel_loop3A_590 = tpu.vector_load %arg7[%parallel_loop3A_589] {strides = array<i32>} : memref<98304xf32, #tpu.memory_space<vmem>>, vector<16xf32>,
        %parallel_loop3A_591 = vector.shape_cast %parallel_loop3A_590 : vector<16xf32> to vector<16xf32>
        %parallel_loop3A_592 = vector.shape_cast %parallel_loop3A_586 : vector<16xf32> to vector<16xf32>
        tpu.vector_store %arg7[%parallel_loop3A_589], %parallel_loop3A_592 {strides = array<i32>} : memref<98304xf32, #tpu.memory_space<vmem>>, vector<16xf32>,
        %parallel_loop3A_593 = vector.extract_strided_slice %parallel_loop3A_102 {offsets = [14], sizes = [1], strides = [1]} : vector<16xi32> to vector<1xi32>
        %parallel_loop3A_594 = vector.extract %parallel_loop3A_593[0] : i32 from vector<1xi32>
        %parallel_loop3A_595 = arith.constant 32 : i32
        %parallel_loop3A_596 = arith.muli %parallel_loop3A_594, %parallel_loop3A_595 : i32
        %parallel_loop3A_597 = arith.constant 1024 : i32
        %parallel_loop3A_598 = arith.muli %rem3A_57, %parallel_loop3A_597 : i32
        %parallel_loop3A_599 = arith.constant 16 : i32
        %parallel_loop3A_600 = arith.muli %parallel_loop3A_94, %parallel_loop3A_599 : i32
        %parallel_loop3A_601 = arith.addi %parallel_loop3A_598, %parallel_loop3A_600 : i32
        %parallel_loop3A_602 = arith.constant 14 : i32
        %parallel_loop3A_603 = arith.addi %parallel_loop3A_601, %parallel_loop3A_602 : i32
        %parallel_loop3A_604 = arith.constant 32 : i32
        %parallel_loop3A_605 = arith.muli %parallel_loop3A_603, %parallel_loop3A_604 : i32
        %parallel_loop3A_606 = arith.constant 0 : i32
        %parallel_loop3A_607 = arith.addi %parallel_loop3A_596, %parallel_loop3A_606 : i32
        %parallel_loop3A_608 = arith.index_cast %parallel_loop3A_607 : i32 to index
        %parallel_loop3A_609 = tpu.vector_load %arg5[%parallel_loop3A_608] {strides = array<i32>} : memref<1024xf32, #tpu.memory_space<vmem>>, vector<16xf32>,
        %parallel_loop3A_610 = vector.shape_cast %parallel_loop3A_609 : vector<16xf32> to vector<16xf32>
        %parallel_loop3A_611 = arith.constant 0 : i32
        %parallel_loop3A_612 = arith.addi %parallel_loop3A_605, %parallel_loop3A_611 : i32
        %parallel_loop3A_613 = arith.index_cast %parallel_loop3A_612 : i32 to index
        %parallel_loop3A_614 = tpu.vector_load %arg7[%parallel_loop3A_613] {strides = array<i32>} : memref<98304xf32, #tpu.memory_space<vmem>>, vector<16xf32>,
        %parallel_loop3A_615 = vector.shape_cast %parallel_loop3A_614 : vector<16xf32> to vector<16xf32>
        %parallel_loop3A_616 = vector.shape_cast %parallel_loop3A_610 : vector<16xf32> to vector<16xf32>
        tpu.vector_store %arg7[%parallel_loop3A_613], %parallel_loop3A_616 {strides = array<i32>} : memref<98304xf32, #tpu.memory_space<vmem>>, vector<16xf32>,
        %parallel_loop3A_617 = arith.constant 16 : i32
        %parallel_loop3A_618 = arith.addi %parallel_loop3A_596, %parallel_loop3A_617 : i32
        %parallel_loop3A_619 = arith.index_cast %parallel_loop3A_618 : i32 to index
        %parallel_loop3A_620 = tpu.vector_load %arg5[%parallel_loop3A_619] {strides = array<i32>} : memref<1024xf32, #tpu.memory_space<vmem>>, vector<16xf32>,
        %parallel_loop3A_621 = vector.shape_cast %parallel_loop3A_620 : vector<16xf32> to vector<16xf32>
        %parallel_loop3A_622 = arith.constant 16 : i32
        %parallel_loop3A_623 = arith.addi %parallel_loop3A_605, %parallel_loop3A_622 : i32
        %parallel_loop3A_624 = arith.index_cast %parallel_loop3A_623 : i32 to index
        %parallel_loop3A_625 = tpu.vector_load %arg7[%parallel_loop3A_624] {strides = array<i32>} : memref<98304xf32, #tpu.memory_space<vmem>>, vector<16xf32>,
        %parallel_loop3A_626 = vector.shape_cast %parallel_loop3A_625 : vector<16xf32> to vector<16xf32>
        %parallel_loop3A_627 = vector.shape_cast %parallel_loop3A_621 : vector<16xf32> to vector<16xf32>
        tpu.vector_store %arg7[%parallel_loop3A_624], %parallel_loop3A_627 {strides = array<i32>} : memref<98304xf32, #tpu.memory_space<vmem>>, vector<16xf32>,
        %parallel_loop3A_628 = vector.extract_strided_slice %parallel_loop3A_102 {offsets = [15], sizes = [1], strides = [1]} : vector<16xi32> to vector<1xi32>
        %parallel_loop3A_629 = vector.extract %parallel_loop3A_628[0] : i32 from vector<1xi32>
        %parallel_loop3A_630 = arith.constant 32 : i32
        %parallel_loop3A_631 = arith.muli %parallel_loop3A_629, %parallel_loop3A_630 : i32
        %parallel_loop3A_632 = arith.constant 1024 : i32
        %parallel_loop3A_633 = arith.muli %rem3A_57, %parallel_loop3A_632 : i32
        %parallel_loop3A_634 = arith.constant 16 : i32
        %parallel_loop3A_635 = arith.muli %parallel_loop3A_94, %parallel_loop3A_634 : i32
        %parallel_loop3A_636 = arith.addi %parallel_loop3A_633, %parallel_loop3A_635 : i32
        %parallel_loop3A_637 = arith.constant 15 : i32
        %parallel_loop3A_638 = arith.addi %parallel_loop3A_636, %parallel_loop3A_637 : i32
        %parallel_loop3A_639 = arith.constant 32 : i32
        %parallel_loop3A_640 = arith.muli %parallel_loop3A_638, %parallel_loop3A_639 : i32
        %parallel_loop3A_641 = arith.constant 0 : i32
        %parallel_loop3A_642 = arith.addi %parallel_loop3A_631, %parallel_loop3A_641 : i32
        %parallel_loop3A_643 = arith.index_cast %parallel_loop3A_642 : i32 to index
        %parallel_loop3A_644 = tpu.vector_load %arg5[%parallel_loop3A_643] {strides = array<i32>} : memref<1024xf32, #tpu.memory_space<vmem>>, vector<16xf32>,
        %parallel_loop3A_645 = vector.shape_cast %parallel_loop3A_644 : vector<16xf32> to vector<16xf32>
        %parallel_loop3A_646 = arith.constant 0 : i32
        %parallel_loop3A_647 = arith.addi %parallel_loop3A_640, %parallel_loop3A_646 : i32
        %parallel_loop3A_648 = arith.index_cast %parallel_loop3A_647 : i32 to index
        %parallel_loop3A_649 = tpu.vector_load %arg7[%parallel_loop3A_648] {strides = array<i32>} : memref<98304xf32, #tpu.memory_space<vmem>>, vector<16xf32>,
        %parallel_loop3A_650 = vector.shape_cast %parallel_loop3A_649 : vector<16xf32> to vector<16xf32>
        %parallel_loop3A_651 = vector.shape_cast %parallel_loop3A_645 : vector<16xf32> to vector<16xf32>
        tpu.vector_store %arg7[%parallel_loop3A_648], %parallel_loop3A_651 {strides = array<i32>} : memref<98304xf32, #tpu.memory_space<vmem>>, vector<16xf32>,
        %parallel_loop3A_652 = arith.constant 16 : i32
        %parallel_loop3A_653 = arith.addi %parallel_loop3A_631, %parallel_loop3A_652 : i32
        %parallel_loop3A_654 = arith.index_cast %parallel_loop3A_653 : i32 to index
        %parallel_loop3A_655 = tpu.vector_load %arg5[%parallel_loop3A_654] {strides = array<i32>} : memref<1024xf32, #tpu.memory_space<vmem>>, vector<16xf32>,
        %parallel_loop3A_656 = vector.shape_cast %parallel_loop3A_655 : vector<16xf32> to vector<16xf32>
        %parallel_loop3A_657 = arith.constant 16 : i32
        %parallel_loop3A_658 = arith.addi %parallel_loop3A_640, %parallel_loop3A_657 : i32
        %parallel_loop3A_659 = arith.index_cast %parallel_loop3A_658 : i32 to index
        %parallel_loop3A_660 = tpu.vector_load %arg7[%parallel_loop3A_659] {strides = array<i32>} : memref<98304xf32, #tpu.memory_space<vmem>>, vector<16xf32>,
        %parallel_loop3A_661 = vector.shape_cast %parallel_loop3A_660 : vector<16xf32> to vector<16xf32>
        %parallel_loop3A_662 = vector.shape_cast %parallel_loop3A_656 : vector<16xf32> to vector<16xf32>
        tpu.vector_store %arg7[%parallel_loop3A_659], %parallel_loop3A_662 {strides = array<i32>} : memref<98304xf32, #tpu.memory_space<vmem>>, vector<16xf32>,
      } {sc.loop_unroll_factor = 4 : i64, sc.parallel_access}
      %mul3A_79 = arith.constant 1024 : i32
      %mul3A_80 = arith.muli %rem3A_57, %mul3A_79 : i32
      %mul3A_81 = arith.constant 32 : i32
      %mul3A_82 = arith.muli %mul3A_80, %mul3A_81 : i32
      %mul3A_83 = arith.constant 1024 : i32
      %mul3A_84 = arith.muli %scan3A_56, %mul3A_83 : i32
      %add3A_85 = arith.addi %mul3A_2, %mul3A_84 : i32
      %mul3A_86 = arith.constant 32 : i32
      %mul3A_87 = arith.muli %add3A_85, %mul3A_86 : i32
      %dma_start3A_88 = tpu.memref_slice %arg7[%mul3A_82] : memref<98304xf32, #tpu.memory_space<vmem>> -> memref<32768xf32, #tpu.memory_space<vmem>>
      %dma_start3A_89 = tpu.memref_slice %arg4[%mul3A_87] : memref<33554432xf32, #tpu.memory_space<hbm>> -> memref<32768xf32, #tpu.memory_space<hbm>>
      %dma_start3A_90 = tpu.memref_slice %arg9[%rem3A_57] : memref<3x!tpu.dma_semaphore, #tpu.memory_space<semaphore_mem>> -> memref<1x!tpu.dma_semaphore, #tpu.memory_space<semaphore_mem>>
      %dma_start3A_91 = tpu.memref_squeeze %dma_start3A_90 : memref<1x!tpu.dma_semaphore, #tpu.memory_space<semaphore_mem>> -> memref<!tpu.dma_semaphore, #tpu.memory_space<semaphore_mem>>
      %dma_start3A_92 = tpu.memref_slice %arg4[%mul3A_87] : memref<33554432xf32, #tpu.memory_space<hbm>> -> memref<32768xf32, #tpu.memory_space<hbm>>
      %dma_start3A_93 = tpu.memref_slice %arg7[%mul3A_82] : memref<98304xf32, #tpu.memory_space<vmem>> -> memref<32768xf32, #tpu.memory_space<vmem>>
      tpu.enqueue_dma source(%dma_start3A_93 : memref<32768xf32, #tpu.memory_space<vmem>>) target(%dma_start3A_92 : memref<32768xf32, #tpu.memory_space<hbm>>) target_semaphore(%dma_start3A_91 : memref<!tpu.dma_semaphore, #tpu.memory_space<semaphore_mem>>)
    }
    %scan3A_17 = arith.constant 32 : i32
    %add3A_18 = arith.constant 29696 : i32
    %add3A_19 = arith.addi %mul3A_2, %add3A_18 : i32
    %mul3A_20 = arith.constant 32 : i32
    %mul3A_21 = arith.muli %add3A_19, %mul3A_20 : i32
    %dma_wait3A = arith.constant 2 : i32
    %dma_wait3A_22 = arith.constant 65536 : i32
    %dma_wait3A_23 = tpu.memref_slice %arg7[%dma_wait3A_22] : memref<98304xf32, #tpu.memory_space<vmem>> -> memref<32768xf32, #tpu.memory_space<vmem>>
    %dma_wait3A_24 = tpu.memref_slice %arg4[%mul3A_21] : memref<33554432xf32, #tpu.memory_space<hbm>> -> memref<32768xf32, #tpu.memory_space<hbm>>
    %dma_wait3A_25 = tpu.memref_slice %arg9[%dma_wait3A] : memref<3x!tpu.dma_semaphore, #tpu.memory_space<semaphore_mem>> -> memref<1x!tpu.dma_semaphore, #tpu.memory_space<semaphore_mem>>
    %dma_wait3A_26 = tpu.memref_squeeze %dma_wait3A_25 : memref<1x!tpu.dma_semaphore, #tpu.memory_space<semaphore_mem>> -> memref<!tpu.dma_semaphore, #tpu.memory_space<semaphore_mem>>
    %dma_wait3A_27 = tpu.memref_slice %arg4[%mul3A_21] : memref<33554432xf32, #tpu.memory_space<hbm>> -> memref<32768xf32, #tpu.memory_space<hbm>>
    %dma_wait3A_28 = arith.constant 65536 : i32
    %dma_wait3A_29 = tpu.memref_slice %arg7[%dma_wait3A_28] : memref<98304xf32, #tpu.memory_space<vmem>> -> memref<32768xf32, #tpu.memory_space<vmem>>
    tpu.wait_dma2 semaphore(%dma_wait3A_26 : memref<!tpu.dma_semaphore, #tpu.memory_space<semaphore_mem>>) src(%dma_wait3A_29 : memref<32768xf32, #tpu.memory_space<vmem>>) dst(%dma_wait3A_27 : memref<32768xf32, #tpu.memory_space<hbm>>)
    %add3A_30 = arith.constant 30720 : i32
    %add3A_31 = arith.addi %mul3A_2, %add3A_30 : i32
    %mul3A_32 = arith.constant 32 : i32
    %mul3A_33 = arith.muli %add3A_31, %mul3A_32 : i32
    %dma_wait3A_34 = arith.constant 0 : i32
    %dma_wait3A_35 = arith.constant 0 : i32
    %dma_wait3A_36 = tpu.memref_slice %arg7[%dma_wait3A_35] : memref<98304xf32, #tpu.memory_space<vmem>> -> memref<32768xf32, #tpu.memory_space<vmem>>
    %dma_wait3A_37 = tpu.memref_slice %arg4[%mul3A_33] : memref<33554432xf32, #tpu.memory_space<hbm>> -> memref<32768xf32, #tpu.memory_space<hbm>>
    %dma_wait3A_38 = tpu.memref_slice %arg9[%dma_wait3A_34] : memref<3x!tpu.dma_semaphore, #tpu.memory_space<semaphore_mem>> -> memref<1x!tpu.dma_semaphore, #tpu.memory_space<semaphore_mem>>
    %dma_wait3A_39 = tpu.memref_squeeze %dma_wait3A_38 : memref<1x!tpu.dma_semaphore, #tpu.memory_space<semaphore_mem>> -> memref<!tpu.dma_semaphore, #tpu.memory_space<semaphore_mem>>
    %dma_wait3A_40 = tpu.memref_slice %arg4[%mul3A_33] : memref<33554432xf32, #tpu.memory_space<hbm>> -> memref<32768xf32, #tpu.memory_space<hbm>>
    %dma_wait3A_41 = arith.constant 0 : i32
    %dma_wait3A_42 = tpu.memref_slice %arg7[%dma_wait3A_41] : memref<98304xf32, #tpu.memory_space<vmem>> -> memref<32768xf32, #tpu.memory_space<vmem>>
    tpu.wait_dma2 semaphore(%dma_wait3A_39 : memref<!tpu.dma_semaphore, #tpu.memory_space<semaphore_mem>>) src(%dma_wait3A_42 : memref<32768xf32, #tpu.memory_space<vmem>>) dst(%dma_wait3A_40 : memref<32768xf32, #tpu.memory_space<hbm>>)
    %add3A_43 = arith.constant 31744 : i32
    %add3A_44 = arith.addi %mul3A_2, %add3A_43 : i32
    %mul3A_45 = arith.constant 32 : i32
    %mul3A_46 = arith.muli %add3A_44, %mul3A_45 : i32
    %dma_wait3A_47 = arith.constant 1 : i32
    %dma_wait3A_48 = arith.constant 32768 : i32
    %dma_wait3A_49 = tpu.memref_slice %arg7[%dma_wait3A_48] : memref<98304xf32, #tpu.memory_space<vmem>> -> memref<32768xf32, #tpu.memory_space<vmem>>
    %dma_wait3A_50 = tpu.memref_slice %arg4[%mul3A_46] : memref<33554432xf32, #tpu.memory_space<hbm>> -> memref<32768xf32, #tpu.memory_space<hbm>>
    %dma_wait3A_51 = tpu.memref_slice %arg9[%dma_wait3A_47] : memref<3x!tpu.dma_semaphore, #tpu.memory_space<semaphore_mem>> -> memref<1x!tpu.dma_semaphore, #tpu.memory_space<semaphore_mem>>
    %dma_wait3A_52 = tpu.memref_squeeze %dma_wait3A_51 : memref<1x!tpu.dma_semaphore, #tpu.memory_space<semaphore_mem>> -> memref<!tpu.dma_semaphore, #tpu.memory_space<semaphore_mem>>
    %dma_wait3A_53 = tpu.memref_slice %arg4[%mul3A_46] : memref<33554432xf32, #tpu.memory_space<hbm>> -> memref<32768xf32, #tpu.memory_space<hbm>>
    %dma_wait3A_54 = arith.constant 32768 : i32
    %dma_wait3A_55 = tpu.memref_slice %arg7[%dma_wait3A_54] : memref<98304xf32, #tpu.memory_space<vmem>> -> memref<32768xf32, #tpu.memory_space<vmem>>
    tpu.wait_dma2 semaphore(%dma_wait3A_52 : memref<!tpu.dma_semaphore, #tpu.memory_space<semaphore_mem>>) src(%dma_wait3A_55 : memref<32768xf32, #tpu.memory_space<vmem>>) dst(%dma_wait3A_53 : memref<32768xf32, #tpu.memory_space<hbm>>)
    return
  }
}

</mosaic_0001>

<sc_bundles>
// kernel: kernel.3.cloned.1.call-start
scs
__scs_entry_jumppad:
0x0: {  	(pc) =	sbr.rel $0x88, $3  }
0x1: {  	(tag) =	ssettag $0x0;
	lr =	simm.s32 $0x1  }
0x2: {  	[smem:$0x3F9F] =	sst lr;
	_ =	strace $0xD0000000  }
0x3: {  	_ = 	snop  }
0x4: {  	_ = 	snop  }
0x5: {  	_ = 	snop  }
0x6: {  	_ = 	snop  }
0x7: {  	_ = 	snop  }
__scs_overlays_trampoline_lowered:
0x8: {  	[smem:$0x3FAE] =	sst s0  }
0x9: {  	[smem:$0x3FAF] =	sst s1  }
0xa: {  	[smem:$0x3FB0] =	sst s2  }
0xb: {  	[smem:$0x3FB1] =	sst s3  }
0xc: {  	[smem:$0x3FB2] =	sst s4  }
0xd: {  	[smem:$0x3FB3] =	sst s5  }
0xe: {  	[smem:$0x3FB4] =	sst s6  }
0xf: {  	[smem:$0x3FB5] =	sst s7  }
0x10: {  	[smem:$0x3FB6] =	sst s8  }
0x11: {  	[smem:$0x3FB7] =	sst s9;
	s0 =	simm.s32 @!p0 $0x0  }
0x12: {  	s1 =	sld [smem:$0x3F9D];
	s0 =	simm.s32 @p0 $0x1  }
0x13: {  	[smem:$0x3FB8] =	sst s0;
	s0 =	simm.s32 @!p1 $0x0  }
0x14: {  	s2 =	sld [smem:$0x3F9C];
	s0 =	simm.s32 @p1 $0x1  }
0x15: {  	[smem:$0x3FB9] =	sst s0;
	s0 =	simm.s32 @!p2 $0x0  }
0x16: {  	s3 =	sld [smem:$0x3FDB];
	s0 =	simm.s32 @p2 $0x1  }
0x17: {  	s4 =	simm.s32 $0x1BF5;
	[smem:$0x3FBB] =	sst s0  }
0x18: {  	s0 =	sld [smem:$0x3F9E];
	_ =	swait.ge [sflag:s4], $0x0  }
0x19: {  	s7 =	sld [smem:$0x3F9F]  }
0x1a: {  	s8 =	sadd.s32 $0xFFFFE003, lr  }
0x1b: {  	s9 =	sadd.s32 $0xFFFFFEF7, lr;
	s5 =	simm.s32 $0xFFFFFFFF;
	p2 =	slt.u32 s8, $0xFFFFF086  }
0x1c: {  	p1 =	slt.u32 s9, $0xF7A;
	s5 =	simm.s32 @!p2 $0x0  }
0x1d: {  	s5 =	simm.s32 @p1 $0x1;
	p0 =	seq.s32 s7, s2  }
0x1e: {  	s7 =	smul.u32 @!p0 $0xF7A, s2;
	p2 =	seq.s32 @!p0 s5, $0x0  }
0x1f: {  	s9 =	smul.u32 $0xF7A, s1;
	s8 =	simm.s32 @!p0 $0x1BF5;
	p2 =	por !p2, p0  }
0x20: {  	[sflag:s8] =	ssyncset.s32 @!p0 $0xFFFFF086;
	s6 =	sadd.s32 @!p0 s3, s7;
	s7 =	simm.s32 @!p0 $0x108  }
0x21: {  	s3 =	sadd.s32 s3, s9;
	s6 =	sadd.s32 @!p0 $0x88, s6;
	s7 =	simm.s32 @p2 $0x1082  }
0x22: {  	[simem:s7], [sflag:s8] =	dma.local @!p0 [hbm:s6], $0xF7A  }
0x23: {  	s9 =	sor.u32 $0xD0000000, s2;
	s6 =	simm.s32 $0x108;
	_ =	swait.ge @!p0 [sflag:s8], $0x0  }
0x24: {  	s3 =	sadd.s32 $0x88, s3;
	s6 =	simm.s32 @!p1 $0x1082;
	[sflag:s4] =	ssyncset.s32 $0xFFFFF086  }
0x25: {  	[simem:s6], [sflag:s4] =	dma.local [hbm:s3], $0xF7A  }
0x26: {  	[smem:$0x3F9F] =	sst s1;
	(tag) =	ssettag s2;
	_ =	strace s9  }
0x27: {  	s1 =	sld [smem:$0x3FAF]  }
0x28: {  	s2 =	sld [smem:$0x3FB0]  }
0x29: {  	s4 =	sld [smem:$0x3FB2]  }
0x2a: {  	p0 =	seq.s32 s5, $0x0;
	s5 =	sld [smem:$0x3FB3]  }
0x2b: {  	s6 =	sld [smem:$0x3FB4]  }
0x2c: {  	s7 =	sld [smem:$0x3FB5]  }
0x2d: {  	s3 =	simm.s32 $0x108;
	s8 =	sld [smem:$0x3FB6]  }
0x2e: {  	s3 =	simm.s32 @!p0 $0x1082;
	s9 =	sld [smem:$0x3FB7]  }
0x2f: {  	lr =	sadd.s32 s0, s3;
	s0 =	sld [smem:$0x3FAE]  }
0x30: {  	s3 =	sld [smem:$0x3FB1]  }
0x31: {  	[smem:$0x3FBA] =	sst s10  }
0x32: {  	s10 =	sld [smem:$0x3FB8];
	_ =	sdelay $0x3  }
0x33: {  	p0 =	seq.s32 s10, $0x1;
	s10 =	sld [smem:$0x3FBA];
	_ =	sdelay $0x3  }
0x34: {  	[smem:$0x3FBA] =	sst s10  }
0x35: {  	s10 =	sld [smem:$0x3FB9];
	_ =	sdelay $0x3  }
0x36: {  	p1 =	seq.s32 s10, $0x1;
	s10 =	sld [smem:$0x3FBA];
	_ =	sdelay $0x3  }
0x37: {  	[smem:$0x3FBA] =	sst s10  }
0x38: {  	s10 =	sld [smem:$0x3FBB]  }
0x39: {  	_ = 	snop;
	(pc) =	sbr.ind lr, $3  }
0x3a: {  	_ = 	snop  }
0x3b: {  	_ = 	snop  }
0x3c: {  	p2 =	seq.s32 s10, $0x1;
	s10 =	sld [smem:$0x3FBA]  }
0x3d: {  	_ =	shalt  }
0x3e: {  	_ =	shalt  }
0x3f: {  	_ =	shalt  }
0x40: {  	_ =	shalt  }
0x41: {  	_ =	shalt  }
0x42: {  	_ =	shalt  }
0x43: {  	_ =	shalt  }
0x44: {  	_ =	shalt  }
0x45: {  	_ =	shalt  }
0x46: {  	_ =	shalt  }
0x47: {  	_ =	shalt  }
0x48: {  	_ =	shalt  }
0x49: {  	_ =	shalt  }
0x4a: {  	_ =	shalt  }
0x4b: {  	_ =	shalt  }
0x4c: {  	_ =	shalt  }
0x4d: {  	_ =	shalt  }
0x4e: {  	_ =	shalt  }
0x4f: {  	_ =	shalt  }
0x50: {  	_ =	shalt  }
0x51: {  	_ =	shalt  }
0x52: {  	_ =	shalt  }
0x53: {  	_ =	shalt  }
0x54: {  	_ =	shalt  }
0x55: {  	_ =	shalt  }
0x56: {  	_ =	shalt  }
0x57: {  	_ =	shalt  }
0x58: {  	_ =	shalt  }
0x59: {  	_ =	shalt  }
0x5a: {  	_ =	shalt  }
0x5b: {  	_ =	shalt  }
0x5c: {  	_ =	shalt  }
0x5d: {  	_ =	shalt  }
0x5e: {  	_ =	shalt  }
0x5f: {  	_ =	shalt  }
0x60: {  	_ =	shalt  }
0x61: {  	_ =	shalt  }
0x62: {  	_ =	shalt  }
0x63: {  	_ =	shalt  }
0x64: {  	_ =	shalt  }
0x65: {  	_ =	shalt  }
0x66: {  	_ =	shalt  }
0x67: {  	_ =	shalt  }
0x68: {  	_ =	shalt  }
0x69: {  	_ =	shalt  }
0x6a: {  	_ =	shalt  }
0x6b: {  	_ =	shalt  }
0x6c: {  	_ =	shalt  }
0x6d: {  	_ =	shalt  }
0x6e: {  	_ =	shalt  }
0x6f: {  	_ =	shalt  }
0x70: {  	_ =	shalt  }
0x71: {  	_ =	shalt  }
0x72: {  	_ =	shalt  }
0x73: {  	_ =	shalt  }
0x74: {  	_ =	shalt  }
0x75: {  	_ =	shalt  }
0x76: {  	_ =	shalt  }
0x77: {  	_ =	shalt  }
0x78: {  	_ =	shalt  }
0x79: {  	_ =	shalt  }
0x7a: {  	_ =	shalt  }
0x7b: {  	_ =	shalt  }
0x7c: {  	_ =	shalt  }
0x7d: {  	_ =	shalt  }
0x7e: {  	_ =	shalt  }
0x7f: {  	_ =	shalt  }
0x80: {  	_ =	shalt  }
0x81: {  	_ =	shalt  }
0x82: {  	_ =	shalt  }
0x83: {  	_ =	shalt  }
0x84: {  	_ =	shalt  }
0x85: {  	_ =	shalt  }
0x86: {  	_ =	shalt  }
0x87: {  	_ =	shalt  }
.Lfunc_end0:
.L_simem_size_0:
called_computation_lowered:
.L_overlay_start_0:
0x88: {  	s2 =	sld [smem:$0x3FD9]  }
0x89: {  	s3 =	sld [smem:$0x3FFE];
	_ =	sdelay $0x1  }
0x8a: {  	s1 =	srdreg.scid  }
0x8b: {  	s0 =	sand.u32 $0x1, s1  }
0x8c: {  	s17 =	sshll.u32 s0, $0xA;
	s2 =	sadd.s32 s3, s2  }
0x8d: {  	s2 =	sadd.s32 s2, s17  }
0x8e: {  	[smem:$0x3FC6] =	sst s2  }
0x8f: {  	_ = 	snop  }
0x90: {  	s2 =	sld [smem:$0x3FD0];
	(tm) =	ssettm $0x1  }
0x91: {  	s18 =	sld [smem:$0x3FFB];
	_ =	sdelay $0x3  }
0x92: {  	_ =	strace s18  }
0x93: {  	s3 =	sld [smem:$0x3FFC];
	_ =	sdelay $0x3  }
0x94: {  	_ =	strace s3  }
0x95: {  	s3 =	sld [smem:$0x3FFD];
	_ =	sdelay $0x3  }
0x96: {  	_ =	strace s3  }
0x97: {  	_ =	strace $0x8FFFFFFF  }
0x98: {  	s19 =	sld [smem:$0x3FDB];
	_ =	sdelay $0x1  }
0x99: {  	s4 =	simm.s32 $_scs_section_size  }
0x9a: {  	s5 =	simm.s32 $_size__tile_overlayer_lowered;
	s6 =	simm.s32 $_tile_overlayer_lowered  }
0x9b: {  	s22 =	simm.s32 $0x1BFF;
	s21 =	sshll.u32 s6, $0x1;
	s3 =	sadd.s32 s4, s19  }
0x9c: {  	s7 =	simm.s32 $0x0;
	s20 =	sshll.u32 s5, $0x1;
	s5 =	sadd.s32 s21, s3  }
0x9d: {  	[timem:s7], [sflag:s22] =	dma.local [hbm:s5], s20  }
0x9e: {  	_ =	swait.ge [sflag:s22], s20  }
0x9f: {  	s4 =	ssub.s32 $0x0, s20;
	[sflag:s22] =	ssyncset.done $0x0  }
0xa0: {  	[sflag:s22] =	ssyncadd.s32 s4;
	_ =	sdelay $0x1  }
0xa1: {  	s23 =	simm.s32 $0x1B8B  }
0xa2: {  	_ =	swait.ge [sflag:s23], $0x1  }
0xa3: {  	[sflag:s23] =	ssyncset.done $0x0  }
0xa4: {  	s25 =	simm.s32 $0x1B8E;
	s24 =	sld [smem:$0x3FFE];
	[sflag:s23] =	ssyncadd.s32 $0xFFFFFFFF  }
0xa5: {  	s26 =	simm.s32 $execute0_lowered;
	[smem:$0x3FD2] =	sst s25  }
0xa6: {  	s5 =	sshll.u32 s26, $0x1;
	_ =	strace $0x80000046;
	[dreg:$0x1] =	wrdreg $0xFFFFFFFF  }
0xa7: {  	s28 =	simm.s32 $_size_execute0_lowered;
	s3 =	sadd.s32 s3, s5;
	[dreg:$0x0] =	wrdreg $0x0  }
0xa8: {  	s5 =	sshll.u32 s28, $0x1;
	[dreg:$0x2] =	wrdreg s3  }
0xa9: {  	[dreg:$0x3] =	wrdreg s5  }
0xaa: {  	[dreg:$0x4] =	wrdreg $0xC0  }
0xab: {  	_ =	task [dreg:s7], $0x5FFFF  }
0xac: {  	[dreg:$0x1] =	wrdreg $0xFFFFFFFF  }
0xad: {  	[dreg:$0x0] =	wrdreg $0x60  }
0xae: {  	[dreg:$0x2] =	wrdreg s2  }
0xaf: {  	[dreg:$0x3] =	wrdreg s24  }
0xb0: {  	[dreg:$0x4] =	wrdreg $0x9  }
0xb1: {  	_ =	task.clear_ibuf [dreg:s7], $0x5FFFF;
	_ =	strace $0x90000046  }
0xb2: {  	s29 =	simm.s32 $0x9;
	_ =	strace $0x80000048  }
0xb3: {  	_ =	swait.ge [sflag:s29], $0x1  }
0xb4: {  	[sflag:s29] =	ssyncadd.s32 $0xFFFFFFFF  }
0xb5: {  	_ =	strace $0x90000048  }
0xb6: {  	_ =	sfence  }
0xb7: {  	s30 =	sld [smem:$0x0];
	_ =	sdelay $0x2  }
0xb8: {  	s31 =	sshll.u32 s1, $0xD;
	s1 =	sshrl.u32 s1, $0x2  }
0xb9: {  	s3 =	sand.u32 $0x4000, s31;
	s1 =	sadd.s32 s1, s30  }
0xba: {  	s0 =	sor.u32 s3, s0;
	s1 =	sshll.u32 s1, $0x11  }
0xbb: {  	s0 =	sor.u32 s1, s0  }
0xbc: {  	s0 =	sadd.s32 $0x8F2B, s0  }
0xbd: {  	[sflag:s0] =	ssyncadd.remote.s32 $0x1  }
0xbe: {  	_ =	sfence.sel $0xFFFF  }
0xbf: {  	[dreg:$0x0] =	wrdreg $0xFFFFFFFF;
	(pc) =	sbr.abs _section_cstart, $3  }
0xc0: {  	[dreg:$0x1] =	wrdreg $0xFFFFFFFF  }
0xc1: {  	_ =	task.clear_ibuf [dreg:s7], $0x2FFFF;
	_ =	strace $0x9FFFFFFF  }
0xc2: {  	(tm) =	ssettm $0x7FFFFFFF  }
0xc3: {  	_ =	shalt  }
tec
execute0_lowered:
.L_overlay_start_1:
0x0: {  	(tag) =	ssettag $0x1  }
0x1: {  	s4 =	rddreg [dreg:$0x0]  }
0x2: {  	s0 =	rddreg [dreg:$0x1]  }
0x3: {  	s1 =	srdreg.scid;
	s3 =	simm.s32 $0x0;
	s2 =	stileid.u32  }
0x4: {  	s1 =	sand.u32 $0x1, s1;
	[smem:$0x7FF] =	sst s3;
	s2 =	sshll.u32 s2, $0x10  }
0x5: {  	s26 =	sadd.s32 $0x400, s0;
	s25 =	sshll.u32 s1, $0xF;
	_ =	strace $0x80000047  }
0x6: {  	s1 =	ssub.s32 $0x2, s1;
	[dreg:$0x1b] =	wrdreg s26;
	s5 =	sor.u32 s25, s2  }
0x7: {  	s29 =	sshrl.u32 s1, $0x1;
	s28 =	sshll.u32 s5, $0x2;
	s30 =	sshrl.u32 s5, $0x3  }
0x8: {  	s1 =	ssub.s32 s1, s29;
	[dreg:$0x1a] =	wrdreg s5;
	s2 =	sadd.s32 s4, s30  }
0x9: {  	s0 =	sadd.s32 s28, s0;
	s31 =	smax.u32 s1, $0x1;
	[dreg:$0x1c] =	wrdreg s2  }
0xa: {  	s0 =	sadd.s32 $0x600, s0;
	[dreg:$0x1e] =	wrdreg s31  }
0xb: {  	s2 =	simm.s32 $0x0;
	[dreg:$0x1d] =	wrdreg s0  }
.LBB2_1:
0xc: {  	[dreg:$0x1f] =	wrdreg s2  }
0xd: {  	s0 =	simm.s32 $0x0;
	s1 =	rddreg [dreg:$0x1b];
	s29 =	simm.s32 $0x7  }
0xe: {  	[tilespmem:s0], [sflag:$0x7] =	stream.linear.gather [hbm4b:s1+s0], $0x400, $0x38;
	[tilespmem:$0x19000] =	vst v63  }
0xf: {  	s31 =	simm.s32 $0x400;
	_ =	swait.ge [sflag:s29], $0x400  }
0x10: {  	s15 =	simm.s32 $0x1000;
	s4 =	simm.s32 $0x0;
	[sflag:s29] =	ssyncset.done $0x0  }
0x11: {  	s7 =	simm.s32 $0x0;
	s30 =	rddreg [dreg:$0x1c];
	[sflag:s29] =	ssyncadd.s32 $0xFFFFFC00  }
0x12: {  	[tilespmem:s31], [sflag:$0x1] =	stream.linear.gather [hbm4b:s30+s0], $0x400, $0x38;
	[tilespmem:$0x19000] =	vst v63  }
.LBB2_2:
0x13: {  	s1 =	smulhi.u32 $0xAAAAAAAB, s7  }
0x14: {  	s5 =	sadd.s32 $0x1, s7;
	p0 =	seq.s32 s7, $0x1F;
	s2 =	smul.u32 $0xAB, s7  }
0x15: {  	s0 =	smul.u32 @!p0 $0xAB, s5  }
0x16: {  	s8 =	sshrl.u32 s1, $0x1;
	s9 =	sshrl.u32 s2, $0x9  }
0x17: {  	s0 =	sshrl.u32 @!p0 s0, $0x9;
	s10 =	smul.u32 $0xC00, s8;
	s1 =	sand.u32 $0x7F, s9  }
0x18: {  	[smem:$0x7F0] =	sst s4;
	s3 =	sand.u32 @!p0 $0x7F, s0;
	s1 =	smul.u32 $0x3, s1  }
0x19: {  	s6 =	rddreg [dreg:$0x1a];
	s2 =	smul.u32 @!p0 $0x3, s3  }
0x1a: {  	[smem:$0x7F1] =	sst s5;
	s3 =	ssub.s32 s4, s10  }
0x1b: {  	s4 =	sshll.u32 @!p0 s5, $0xA;
	s1 =	ssub.s32 s7, s1;
	s2 =	ssub.s32 @!p0 s5, s2  }
0x1c: {  	s4 =	sadd.s32 @!p0 s6, s4;
	[dreg:$0x3] =	wrdreg s3;
	s2 =	sand.u32 @!p0 $0xFF, s2  }
0x1d: {  	s6 =	sand.u32 $0xFF, s1;
	s4 =	sshrl.u32 @!p0 s4, $0x3;
	s5 =	sshll.u32 @!p0 s2, $0xA  }
0x1e: {  	s11 =	sadd.s32 $0x1, s6;
	s1 =	sadd.s32 @!p0 $0x400, s5;
	s5 =	rddreg [dreg:$0x0]  }
0x1f: {  	s2 =	sadd.s32 @!p0 $0x1, s2;
	s4 =	sadd.s32 @!p0 s5, s4;
	s5 =	simm.s32 @!p0 $0x0  }
0x20: {  	[tilespmem:s1], [sflag:s2] =	stream.linear.gather @!p0 [hbm4b:s4+s5], $0x400, $0x38;
	[tilespmem:$0x19000] =	vst v63  }
0x21: {  	_ =	swait.ge [sflag:s11], $0x400  }
0x22: {  	p0 =	slt.u32 s7, $0x3;
	[sflag:s11] =	ssyncset.done $0x0;
	[smem:$0x7F2] =	sst s7  }
0x23: {  	s1 =	sadd.s32 @!p0 $0x4, s6;
	[smem:$0x7F3] =	sst s6;
	[sflag:s11] =	ssyncadd.s32 $0xFFFFFC00  }
0x24: {  	_ =	swait.ge @!p0 [sflag:s1], $0x8000  }
0x25: {  	s12 =	rddreg [dreg:$0x3]  }
0x26: {  	s13 =	simm.s32 $0x10;
	s16 =	simm.s32 $0x20;
	s2 =	sadd.s32 $0x30, s12  }
0x27: {  	s19 =	simm.s32 $0x0;
	s21 =	simm.s32 $0x30;
	s17 =	sadd.s32 $0xFFFFFFF0, s2  }
0x28: {  	s4 =	sand.u32 $0x60, s16;
	[sflag:s1] =	ssyncset.done @!p0 $0x0;
	s5 =	sand.u32 $0xF80, s17  }
0x29: {  	[sflag:s1] =	ssyncadd.s32 @!p0 $0xFFFF8000;
	s14 =	sadd.s32 $0xFFFFFFD0, s2;
	s4 =	sor.u32 s4, s5  }
0x2a: {  	s20 =	sand.u32 $0x40, s19;
	s18 =	sadd.s32 $0xFFFFFFE0, s2;
	s3 =	sand.u32 $0xF80, s14;
	v0 =	vld [tilespmem:s4+$0x400]  }
0x2b: {  	s1 =	sand.u32 $0x50, s13;
	s6 =	sand.u32 $0xF80, s18;
	s3 =	sor.u32 s20, s3  }
0x2c: {  	s22 =	sand.u32 $0x70, s21;
	s2 =	sand.u32 $0xF80, s2;
	s1 =	sor.u32 s1, s6;
	v1 =	vld [tilespmem:s3+$0x400]  }
0x2d: {  	s23 =	sor.u32 s22, s2;
	v4 =	vld [tilespmem:s1+$0x400]  }
0x2e: {  	v5 =	vld [tilespmem:s23+$0x400]  }
0x2f: {  	v0 =	vshll.u32 v0, $0x7  }
0x30: {  	v2 =	vshra.s32 v0, $0x2  }
0x31: {  	v0 =	vshll.u32 v1, $0x7;
	(v2sf) =	vpush v2, $0x0  }
0x32: {  	v3 =	vshra.s32 v0, $0x2;
	v0 =	vshll.u32 v4, $0x7  }
0x33: {  	v1 =	vshra.s32 v0, $0x2;
	(v2sf) =	vpush v3, $0x0;
	v0 =	vshll.u32 v5, $0x7  }
0x34: {  	(v2sf) =	vpush v1, $0x0;
	v4 =	vshra.s32 v0, $0x2  }
0x35: {  	(v2sf) =	vpush v4, $0x0  }
0x36: {  	(v2sf) =	vpush v3, $0x1  }
0x37: {  	(v2sf) =	vpush v1, $0x1  }
0x38: {  	(v2sf) =	vpush v4, $0x1  }
0x39: {  	(v2sf) =	vpush v3, $0x2  }
0x3a: {  	(v2sf) =	vpush v1, $0x2  }
0x3b: {  	(v2sf) =	vpush v4, $0x2  }
0x3c: {  	(v2sf) =	vpush v3, $0x3  }
0x3d: {  	(v2sf) =	vpush v2, $0x1  }
0x3e: {  	s0 =	smul.u32 $0xFFFA0000, s8  }
0x3f: {  	(v2sf) =	vpush v1, $0x3  }
0x40: {  	s0 =	sshra.s32 s0, $0x2;
	s24 =	spop (v2sf);
	(v2sf) =	vpush v4, $0x3  }
0x41: {  	v0 =	vmov s0;
	v5 =	vld [tilespmem:s24+$0x0];
	(v2sf) =	vpush v3, $0x4  }
0x42: {  	s25 =	spop (v2sf);
	(v2sf) =	vpush v1, $0x4  }
0x43: {  	v6 =	vld [tilespmem:s25+$0x0];
	s26 =	spop (v2sf);
	(v2sf) =	vpush v4, $0x4  }
0x44: {  	s30 =	spop (v2sf);
	(v2sf) =	vpush v3, $0x5  }
0x45: {  	v7 =	vld [tilespmem:s26+$0x0];
	s31 =	spop (v2sf);
	(v2sf) =	vpush v1, $0x5  }
0x46: {  	s3 =	spop (v2sf);
	[tilespmem:v0+s15+$0x400 ss:$0x1] =	vst.idx.msk $0xffff, v5;
	(v2sf) =	vpush v4, $0x5  }
0x47: {  	s8 =	spop (v2sf);
	v5 =	vld [tilespmem:s24+$0x10];
	(v2sf) =	vpush v3, $0x6  }
0x48: {  	v8 =	vld [tilespmem:s30+$0x0];
	[tilespmem:v0+s15+$0x0 ss:$0x1] =	vst.idx.msk $0xffff, v6;
	s4 =	spop (v2sf);
	(v2sf) =	vpush v1, $0x6  }
0x49: {  	v6 =	vld [tilespmem:s25+$0x10];
	s17 =	spop (v2sf);
	(v2sf) =	vpush v2, $0x2  }
0x4a: {  	[tilespmem:v0+s15+$0x200 ss:$0x1] =	vst.idx.msk $0xffff, v7;
	s20 =	spop (v2sf)  }
0x4b: {  	v7 =	vld [tilespmem:s26+$0x10];
	(v2sf) =	vpush v4, $0x6;
	s13 =	spop (v2sf)  }
0x4c: {  	(v2sf) =	vpush v3, $0x7;
	s22 =	spop (v2sf);
	[tilespmem:v0+s15+$0x410 ss:$0x1] =	vst.idx.msk $0xffff, v5  }
0x4d: {  	[tilespmem:v0+s15+$0x600 ss:$0x1] =	vst.idx.msk $0xffff, v8;
	(v2sf) =	vpush v1, $0x7;
	v5 =	vld [tilespmem:s22+$0x0]  }
0x4e: {  	v8 =	vld [tilespmem:s30+$0x10];
	s26 =	spop (v2sf);
	[tilespmem:v0+s15+$0x10 ss:$0x1] =	vst.idx.msk $0xffff, v6;
	(v2sf) =	vpush v4, $0x7  }
0x4f: {  	v6 =	vld [tilespmem:s31+$0x0];
	(v2sf) =	vpush v3, $0x8;
	s28 =	spop (v2sf)  }
0x50: {  	[tilespmem:v0+s15+$0x210 ss:$0x1] =	vst.idx.msk $0xffff, v7;
	(v2sf) =	vpush v1, $0x8;
	s25 =	spop (v2sf)  }
0x51: {  	v7 =	vld [tilespmem:s3+$0x0];
	(v2sf) =	vpush v4, $0x8;
	s23 =	spop (v2sf)  }
0x52: {  	(v2sf) =	vpush v3, $0x9;
	[tilespmem:v0+s15+$0x420 ss:$0x1] =	vst.idx.msk $0xffff, v5;
	s24 =	spop (v2sf)  }
0x53: {  	[tilespmem:v0+s15+$0x610 ss:$0x1] =	vst.idx.msk $0xffff, v8;
	(v2sf) =	vpush v1, $0x9;
	v5 =	vld [tilespmem:s22+$0x10];
	s19 =	spop (v2sf)  }
0x54: {  	v8 =	vld [tilespmem:s8+$0x0];
	[tilespmem:v0+s15+$0x20 ss:$0x1] =	vst.idx.msk $0xffff, v6;
	s21 =	spop (v2sf);
	(v2sf) =	vpush v4, $0x9  }
0x55: {  	v6 =	vld [tilespmem:s31+$0x10];
	(v2sf) =	vpush v2, $0x3;
	s22 =	spop (v2sf)  }
0x56: {  	[tilespmem:v0+s15+$0x220 ss:$0x1] =	vst.idx.msk $0xffff, v7;
	s14 =	spop (v2sf)  }
0x57: {  	v7 =	vld [tilespmem:s3+$0x10];
	(v2sf) =	vpush v3, $0xA;
	s16 =	spop (v2sf)  }
0x58: {  	(v2sf) =	vpush v1, $0xA;
	[tilespmem:v0+s15+$0x430 ss:$0x1] =	vst.idx.msk $0xffff, v5;
	s30 =	spop (v2sf)  }
0x59: {  	[tilespmem:v0+s15+$0x620 ss:$0x1] =	vst.idx.msk $0xffff, v8;
	(v2sf) =	vpush v4, $0xA;
	v5 =	vld [tilespmem:s30+$0x0]  }
0x5a: {  	v8 =	vld [tilespmem:s8+$0x10];
	[tilespmem:v0+s15+$0x30 ss:$0x1] =	vst.idx.msk $0xffff, v6;
	(v2sf) =	vpush v3, $0xB;
	s18 =	spop (v2sf)  }
0x5b: {  	v6 =	vld [tilespmem:s4+$0x0];
	s0 =	spop (v2sf);
	(v2sf) =	vpush v1, $0xB  }
0x5c: {  	[tilespmem:v0+s15+$0x230 ss:$0x1] =	vst.idx.msk $0xffff, v7;
	s11 =	spop (v2sf);
	(v2sf) =	vpush v4, $0xB  }
0x5d: {  	v7 =	vld [tilespmem:s17+$0x0];
	(v2sf) =	vpush v3, $0xC;
	s12 =	spop (v2sf)  }
0x5e: {  	s10 =	spop (v2sf);
	[tilespmem:v0+s15+$0x440 ss:$0x1] =	vst.idx.msk $0xffff, v5  }
0x5f: {  	[tilespmem:v0+s15+$0x630 ss:$0x1] =	vst.idx.msk $0xffff, v8;
	s2 =	spop (v2sf);
	v5 =	vld [tilespmem:s30+$0x10]  }
0x60: {  	v8 =	vld [tilespmem:s20+$0x0];
	(v2sf) =	vpush v1, $0xC;
	[tilespmem:v0+s15+$0x40 ss:$0x1] =	vst.idx.msk $0xffff, v6;
	s9 =	spop (v2sf)  }
0x61: {  	v6 =	vld [tilespmem:s4+$0x10];
	s8 =	spop (v2sf)  }
0x62: {  	(v2sf) =	vpush v4, $0xC;
	[tilespmem:v0+s15+$0x240 ss:$0x1] =	vst.idx.msk $0xffff, v7;
	s7 =	spop (v2sf)  }
0x63: {  	v7 =	vld [tilespmem:s17+$0x10];
	s6 =	spop (v2sf)  }
0x64: {  	(v2sf) =	vpush v3, $0xD;
	[tilespmem:v0+s15+$0x450 ss:$0x1] =	vst.idx.msk $0xffff, v5;
	s17 =	spop (v2sf)  }
0x65: {  	(v2sf) =	vpush v2, $0x4;
	[tilespmem:v0+s15+$0x640 ss:$0x1] =	vst.idx.msk $0xffff, v8;
	v5 =	vld [tilespmem:s17+$0x0]  }
0x66: {  	(v2sf) =	vpush v1, $0xD;
	v8 =	vld [tilespmem:s20+$0x10];
	[tilespmem:v0+s15+$0x50 ss:$0x1] =	vst.idx.msk $0xffff, v6;
	s4 =	spop (v2sf)  }
0x67: {  	(v2sf) =	vpush v4, $0xD;
	v6 =	vld [tilespmem:s13+$0x0];
	s3 =	spop (v2sf)  }
0x68: {  	(v2sf) =	vpush v3, $0xE;
	[tilespmem:v0+s15+$0x250 ss:$0x1] =	vst.idx.msk $0xffff, v7;
	s1 =	spop (v2sf)  }
0x69: {  	(v2sf) =	vpush v1, $0xE;
	v7 =	vld [tilespmem:s26+$0x0];
	s5 =	spop (v2sf)  }
0x6a: {  	(v2sf) =	vpush v4, $0xE;
	s20 =	spop (v2sf);
	[tilespmem:v0+s15+$0x460 ss:$0x1] =	vst.idx.msk $0xffff, v5  }
0x6b: {  	[tilespmem:v0+s15+$0x650 ss:$0x1] =	vst.idx.msk $0xffff, v8;
	(v2sf) =	vpush v3, $0xF;
	v3 =	vld [tilespmem:s17+$0x10];
	s17 =	spop (v2sf)  }
0x6c: {  	v8 =	vld [tilespmem:s28+$0x0];
	[tilespmem:v0+s15+$0x60 ss:$0x1] =	vst.idx.msk $0xffff, v6;
	s29 =	spop (v2sf)  }
0x6d: {  	(v2sf) =	vpush v1, $0xF;
	[smem:$0x7F4] =	sst s29  }
0x6e: {  	(v2sf) =	vpush v4, $0xF;
	v1 =	vld [tilespmem:s13+$0x10];
	[tilespmem:v0+s15+$0x260 ss:$0x1] =	vst.idx.msk $0xffff, v7  }
0x6f: {  	s31 =	spop (v2sf)  }
0x70: {  	[smem:$0x7F5] =	sst s31  }
0x71: {  	v4 =	vld [tilespmem:s26+$0x10];
	[tilespmem:v0+s15+$0x660 ss:$0x1] =	vst.idx.msk $0xffff, v8;
	s26 =	spop (v2sf)  }
0x72: {  	[smem:$0x7F6] =	sst s26  }
0x73: {  	s30 =	spop (v2sf);
	v5 =	vld [tilespmem:s28+$0x10]  }
0x74: {  	[smem:$0x7F7] =	sst s30  }
0x75: {  	(v2sf) =	vpush v2, $0x5;
	s26 =	spop (v2sf);
	[tilespmem:v0+s15+$0x470 ss:$0x1] =	vst.idx.msk $0xffff, v3  }
0x76: {  	[tilespmem:v0+s15+$0x70 ss:$0x1] =	vst.idx.msk $0xffff, v1;
	v3 =	vld [tilespmem:s26+$0x0]  }
0x77: {  	[tilespmem:v0+s15+$0x270 ss:$0x1] =	vst.idx.msk $0xffff, v4  }
0x78: {  	s31 =	spop (v2sf);
	v1 =	vld [tilespmem:s25+$0x0];
	[tilespmem:v0+s15+$0x670 ss:$0x1] =	vst.idx.msk $0xffff, v5  }
0x79: {  	s30 =	spop (v2sf);
	v4 =	vld [tilespmem:s23+$0x0];
	[smem:$0x7F8] =	sst s31  }
0x7a: {  	v5 =	vld [tilespmem:s24+$0x0];
	[smem:$0x7F9] =	sst s30  }
0x7b: {  	s31 =	spop (v2sf);
	[tilespmem:v0+s15+$0x480 ss:$0x1] =	vst.idx.msk $0xffff, v3  }
0x7c: {  	s28 =	spop (v2sf);
	[dreg:$0x10] =	wrdreg s31  }
0x7d: {  	s30 =	spop (v2sf);
	[tilespmem:v0+s15+$0x80 ss:$0x1] =	vst.idx.msk $0xffff, v1  }
0x7e: {  	v3 =	vld [tilespmem:s26+$0x10];
	[dreg:$0xd] =	wrdreg s30  }
0x7f: {  	s31 =	spop (v2sf);
	[tilespmem:v0+s15+$0x280 ss:$0x1] =	vst.idx.msk $0xffff, v4  }
0x80: {  	v1 =	vld [tilespmem:s25+$0x10];
	[dreg:$0x6] =	wrdreg s31  }
0x81: {  	(v2sf) =	vpush v2, $0x6;
	s13 =	spop (v2sf);
	v4 =	vld [tilespmem:s23+$0x10];
	[tilespmem:v0+s15+$0x680 ss:$0x1] =	vst.idx.msk $0xffff, v5  }
0x82: {  	s25 =	spop (v2sf);
	[dreg:$0x4] =	wrdreg s13  }
0x83: {  	v5 =	vld [tilespmem:s24+$0x10];
	[dreg:$0x5] =	wrdreg s25  }
0x84: {  	s26 =	spop (v2sf);
	[tilespmem:v0+s15+$0x490 ss:$0x1] =	vst.idx.msk $0xffff, v3  }
0x85: {  	[tilespmem:v0+s15+$0x90 ss:$0x1] =	vst.idx.msk $0xffff, v1;
	v3 =	vld [tilespmem:s26+$0x0]  }
0x86: {  	v1 =	vld [tilespmem:s19+$0x0];
	[tilespmem:v0+s15+$0x290 ss:$0x1] =	vst.idx.msk $0xffff, v4  }
0x87: {  	v4 =	vld [tilespmem:s21+$0x0]  }
0x88: {  	[tilespmem:v0+s15+$0x690 ss:$0x1] =	vst.idx.msk $0xffff, v5  }
0x89: {  	v5 =	vld [tilespmem:s22+$0x0]  }
0x8a: {  	[tilespmem:v0+s15+$0x4A0 ss:$0x1] =	vst.idx.msk $0xffff, v3  }
0x8b: {  	[tilespmem:v0+s15+$0xA0 ss:$0x1] =	vst.idx.msk $0xffff, v1;
	v3 =	vld [tilespmem:s26+$0x10]  }
0x8c: {  	v1 =	vld [tilespmem:s19+$0x10];
	[tilespmem:v0+s15+$0x2A0 ss:$0x1] =	vst.idx.msk $0xffff, v4  }
0x8d: {  	(v2sf) =	vpush v2, $0x7;
	v4 =	vld [tilespmem:s21+$0x10]  }
0x8e: {  	[tilespmem:v0+s15+$0x6A0 ss:$0x1] =	vst.idx.msk $0xffff, v5  }
0x8f: {  	v5 =	vld [tilespmem:s22+$0x10]  }
0x90: {  	s30 =	spop (v2sf);
	[tilespmem:v0+s15+$0x4B0 ss:$0x1] =	vst.idx.msk $0xffff, v3  }
0x91: {  	[tilespmem:v0+s15+$0xB0 ss:$0x1] =	vst.idx.msk $0xffff, v1;
	v3 =	vld [tilespmem:s30+$0x0]  }
0x92: {  	v1 =	vld [tilespmem:s14+$0x0];
	[tilespmem:v0+s15+$0x2B0 ss:$0x1] =	vst.idx.msk $0xffff, v4  }
0x93: {  	v4 =	vld [tilespmem:s16+$0x0]  }
0x94: {  	[tilespmem:v0+s15+$0x6B0 ss:$0x1] =	vst.idx.msk $0xffff, v5  }
0x95: {  	v5 =	vld [tilespmem:s18+$0x0]  }
0x96: {  	[tilespmem:v0+s15+$0x4C0 ss:$0x1] =	vst.idx.msk $0xffff, v3  }
0x97: {  	[tilespmem:v0+s15+$0xC0 ss:$0x1] =	vst.idx.msk $0xffff, v1;
	v3 =	vld [tilespmem:s30+$0x10]  }
0x98: {  	v1 =	vld [tilespmem:s14+$0x10];
	[tilespmem:v0+s15+$0x2C0 ss:$0x1] =	vst.idx.msk $0xffff, v4  }
0x99: {  	(v2sf) =	vpush v2, $0x8;
	v4 =	vld [tilespmem:s16+$0x10]  }
0x9a: {  	[tilespmem:v0+s15+$0x6C0 ss:$0x1] =	vst.idx.msk $0xffff, v5  }
0x9b: {  	v5 =	vld [tilespmem:s18+$0x10]  }
0x9c: {  	s31 =	spop (v2sf);
	[tilespmem:v0+s15+$0x4D0 ss:$0x1] =	vst.idx.msk $0xffff, v3  }
0x9d: {  	[tilespmem:v0+s15+$0xD0 ss:$0x1] =	vst.idx.msk $0xffff, v1;
	v3 =	vld [tilespmem:s31+$0x0]  }
0x9e: {  	v1 =	vld [tilespmem:s0+$0x0];
	[tilespmem:v0+s15+$0x2D0 ss:$0x1] =	vst.idx.msk $0xffff, v4  }
0x9f: {  	v4 =	vld [tilespmem:s11+$0x0]  }
0xa0: {  	[tilespmem:v0+s15+$0x6D0 ss:$0x1] =	vst.idx.msk $0xffff, v5  }
0xa1: {  	v5 =	vld [tilespmem:s12+$0x0]  }
0xa2: {  	[tilespmem:v0+s15+$0x4E0 ss:$0x1] =	vst.idx.msk $0xffff, v3  }
0xa3: {  	[tilespmem:v0+s15+$0xE0 ss:$0x1] =	vst.idx.msk $0xffff, v1;
	v3 =	vld [tilespmem:s31+$0x10]  }
0xa4: {  	v1 =	vld [tilespmem:s0+$0x10];
	[tilespmem:v0+s15+$0x2E0 ss:$0x1] =	vst.idx.msk $0xffff, v4  }
0xa5: {  	(v2sf) =	vpush v2, $0x9;
	v4 =	vld [tilespmem:s11+$0x10]  }
0xa6: {  	[tilespmem:v0+s15+$0x6E0 ss:$0x1] =	vst.idx.msk $0xffff, v5  }
0xa7: {  	v5 =	vld [tilespmem:s12+$0x10]  }
0xa8: {  	s13 =	spop (v2sf);
	[tilespmem:v0+s15+$0x4F0 ss:$0x1] =	vst.idx.msk $0xffff, v3  }
0xa9: {  	[tilespmem:v0+s15+$0xF0 ss:$0x1] =	vst.idx.msk $0xffff, v1;
	v3 =	vld [tilespmem:s13+$0x0]  }
0xaa: {  	v1 =	vld [tilespmem:s10+$0x0];
	[tilespmem:v0+s15+$0x2F0 ss:$0x1] =	vst.idx.msk $0xffff, v4  }
0xab: {  	v4 =	vld [tilespmem:s2+$0x0]  }
0xac: {  	[tilespmem:v0+s15+$0x6F0 ss:$0x1] =	vst.idx.msk $0xffff, v5  }
0xad: {  	s14 =	rddreg [dreg:$0x3];
	v5 =	vld [tilespmem:s9+$0x0]  }
0xae: {  	s16 =	sadd.s32 $0x70, s14;
	[tilespmem:v0+s15+$0x500 ss:$0x1] =	vst.idx.msk $0xffff, v3  }
0xaf: {  	s19 =	simm.s32 $0x60;
	s11 =	sadd.s32 $0xFFFFFFF0, s16;
	[tilespmem:v0+s15+$0x100 ss:$0x1] =	vst.idx.msk $0xffff, v1;
	v3 =	vld [tilespmem:s13+$0x10]  }
0xb0: {  	s21 =	sand.u32 $0x60, s19;
	s18 =	sand.u32 $0xF80, s11;
	v1 =	vld [tilespmem:s10+$0x10];
	[tilespmem:v0+s15+$0x300 ss:$0x1] =	vst.idx.msk $0xffff, v4  }
0xb1: {  	(v2sf) =	vpush v2, $0xA;
	s23 =	simm.s32 $0x40;
	s22 =	sadd.s32 $0xFFFFFFD0, s16;
	v4 =	vld [tilespmem:s2+$0x10];
	s2 =	sor.u32 s21, s18  }
0xb2: {  	s29 =	simm.s32 $0x70;
	s25 =	sand.u32 $0x40, s23;
	s24 =	sand.u32 $0xF80, s22;
	[tilespmem:v0+s15+$0x700 ss:$0x1] =	vst.idx.msk $0xffff, v5;
	v6 =	vld [tilespmem:s2+$0x400]  }
0xb3: {  	s26 =	simm.s32 $0x50;
	s30 =	sadd.s32 $0xFFFFFFE0, s16;
	v5 =	vld [tilespmem:s9+$0x10];
	s9 =	sor.u32 s25, s24  }
0xb4: {  	s31 =	spop (v2sf);
	s0 =	sand.u32 $0xF80, s16;
	s13 =	sand.u32 $0x70, s29;
	[tilespmem:v0+s15+$0x510 ss:$0x1] =	vst.idx.msk $0xffff, v3;
	v7 =	vld [tilespmem:s9+$0x400]  }
0xb5: {  	s11 =	sand.u32 $0xF80, s30;
	s0 =	sor.u32 s13, s0;
	s2 =	sand.u32 $0x50, s26;
	v3 =	vld [tilespmem:s31+$0x0]  }
0xb6: {  	v10 =	vld [tilespmem:s0+$0x400];
	s2 =	sor.u32 s2, s11  }
0xb7: {  	v8 =	vld [tilespmem:s2+$0x400];
	[tilespmem:v0+s15+$0x110 ss:$0x1] =	vst.idx.msk $0xffff, v1  }
0xb8: {  	v9 =	vld [tilespmem:s8+$0x0];
	v1 =	vshll.u32 v6, $0x7  }
0xb9: {  	[tilespmem:v0+s15+$0x310 ss:$0x1] =	vst.idx.msk $0xffff, v4;
	v1 =	vshra.s32 v1, $0x2  }
0xba: {  	(v2sf) =	vpush v1, $0x0;
	[tilespmem:v0+s15+$0x520 ss:$0x1] =	vst.idx.msk $0xffff, v3;
	v3 =	vshll.u32 v7, $0x7;
	v7 =	vld [tilespmem:s7+$0x0]  }
0xbb: {  	(v2sf) =	vpush v2, $0xB;
	v6 =	vld [tilespmem:s31+$0x10];
	v3 =	vshra.s32 v3, $0x2  }
0xbc: {  	[tilespmem:v0+s15+$0x710 ss:$0x1] =	vst.idx.msk $0xffff, v5;
	v4 =	vshll.u32 v8, $0x7;
	(v2sf) =	vpush v3, $0x0  }
0xbd: {  	v5 =	vshll.u32 v10, $0x7;
	v8 =	vld [tilespmem:s6+$0x0];
	[tilespmem:v0+s15+$0x120 ss:$0x1] =	vst.idx.msk $0xffff, v9;
	v4 =	vshra.s32 v4, $0x2  }
0xbe: {  	v5 =	vshra.s32 v5, $0x2;
	v9 =	vld [tilespmem:s8+$0x10];
	(v2sf) =	vpush v4, $0x0  }
0xbf: {  	(v2sf) =	vpush v5, $0x0;
	[tilespmem:v0+s15+$0x320 ss:$0x1] =	vst.idx.msk $0xffff, v7  }
0xc0: {  	s14 =	spop (v2sf);
	(v2sf) =	vpush v3, $0x1;
	[tilespmem:v0+s15+$0x530 ss:$0x1] =	vst.idx.msk $0xffff, v6;
	v7 =	vld [tilespmem:s7+$0x10]  }
0xc1: {  	(v2sf) =	vpush v4, $0x1;
	v6 =	vld [tilespmem:s14+$0x0]  }
0xc2: {  	[tilespmem:v0+s15+$0x720 ss:$0x1] =	vst.idx.msk $0xffff, v8;
	(v2sf) =	vpush v5, $0x1  }
0xc3: {  	v8 =	vld [tilespmem:s6+$0x10];
	[tilespmem:v0+s15+$0x130 ss:$0x1] =	vst.idx.msk $0xffff, v9;
	(v2sf) =	vpush v3, $0x2  }
0xc4: {  	v9 =	vld [tilespmem:s4+$0x0];
	(v2sf) =	vpush v4, $0x2  }
0xc5: {  	(v2sf) =	vpush v5, $0x2;
	[tilespmem:v0+s15+$0x330 ss:$0x1] =	vst.idx.msk $0xffff, v7  }
0xc6: {  	(v2sf) =	vpush v3, $0x3;
	[tilespmem:v0+s15+$0x540 ss:$0x1] =	vst.idx.msk $0xffff, v6;
	v7 =	vld [tilespmem:s3+$0x0]  }
0xc7: {  	(v2sf) =	vpush v1, $0x1;
	v6 =	vld [tilespmem:s14+$0x10]  }
0xc8: {  	[tilespmem:v0+s15+$0x730 ss:$0x1] =	vst.idx.msk $0xffff, v8  }
0xc9: {  	v8 =	vld [tilespmem:s1+$0x0];
	[tilespmem:v0+s15+$0x140 ss:$0x1] =	vst.idx.msk $0xffff, v9;
	(v2sf) =	vpush v2, $0xC;
	s16 =	spop (v2sf)  }
0xca: {  	v9 =	vld [tilespmem:s4+$0x10];
	(v2sf) =	vpush v4, $0x3;
	s18 =	spop (v2sf)  }
0xcb: {  	(v2sf) =	vpush v5, $0x3;
	v52 =	vld [tilespmem:s16+$0x0];
	s19 =	spop (v2sf);
	[tilespmem:v0+s15+$0x340 ss:$0x1] =	vst.idx.msk $0xffff, v7  }
0xcc: {  	(v2sf) =	vpush v3, $0x4;
	[tilespmem:v0+s15+$0x550 ss:$0x1] =	vst.idx.msk $0xffff, v6;
	v7 =	vld [tilespmem:s19+$0x0]  }
0xcd: {  	(v2sf) =	vpush v4, $0x4;
	s21 =	spop (v2sf);
	v6 =	vld [tilespmem:s18+$0x0]  }
0xce: {  	(v2sf) =	vpush v5, $0x4;
	v11 =	vld [tilespmem:s3+$0x10];
	s22 =	spop (v2sf)  }
0xcf: {  	s26 =	sadd.s32 $0x800, s15;
	[tilespmem:v0+s15+$0x740 ss:$0x1] =	vst.idx.msk $0xffff, v8;
	v8 =	vld [tilespmem:s21+$0x0];
	(v2sf) =	vpush v3, $0x5;
	s23 =	spop (v2sf)  }
0xd0: {  	v53 =	vld [tilespmem:s22+$0x0];
	(v2sf) =	vpush v4, $0x5;
	[tilespmem:v0+s26+$0x400 ss:$0x1] =	vst.idx.msk $0xffff, v52;
	s24 =	spop (v2sf)  }
0xd1: {  	(v2sf) =	vpush v5, $0x5;
	v10 =	vld [tilespmem:s16+$0x10];
	s25 =	spop (v2sf);
	[tilespmem:v0+s26+$0x0 ss:$0x1] =	vst.idx.msk $0xffff, v7  }
0xd2: {  	(v2sf) =	vpush v3, $0x6;
	s3 =	spop (v2sf);
	[tilespmem:v0+s15+$0x560 ss:$0x1] =	vst.idx.msk $0xffff, v6;
	v7 =	vld [tilespmem:s19+$0x10]  }
0xd3: {  	[tilespmem:v0+s15+$0x150 ss:$0x1] =	vst.idx.msk $0xffff, v9;
	(v2sf) =	vpush v4, $0x6;
	s11 =	spop (v2sf);
	v6 =	vld [tilespmem:s18+$0x10]  }
0xd4: {  	v54 =	vld [tilespmem:s1+$0x10];
	[tilespmem:v0+s26+$0x200 ss:$0x1] =	vst.idx.msk $0xffff, v8;
	(v2sf) =	vpush v1, $0x2;
	s12 =	spop (v2sf)  }
0xd5: {  	v8 =	vld [tilespmem:s21+$0x10];
	[tilespmem:v0+s26+$0x600 ss:$0x1] =	vst.idx.msk $0xffff, v53;
	(v2sf) =	vpush v2, $0xD;
	s8 =	spop (v2sf)  }
0xd6: {  	v9 =	vld [tilespmem:s22+$0x10];
	(v2sf) =	vpush v5, $0x6;
	[tilespmem:v0+s26+$0x410 ss:$0x1] =	vst.idx.msk $0xffff, v10;
	s30 =	spop (v2sf)  }
0xd7: {  	(v2sf) =	vpush v3, $0x7;
	v10 =	vld [tilespmem:s30+$0x0];
	[tilespmem:v0+s26+$0x10 ss:$0x1] =	vst.idx.msk $0xffff, v7  }
0xd8: {  	s31 =	spop (v2sf);
	[tilespmem:v0+s15+$0x570 ss:$0x1] =	vst.idx.msk $0xffff, v6;
	v7 =	vld [tilespmem:s23+$0x0]  }
0xd9: {  	[tilespmem:v0+s15+$0x750 ss:$0x1] =	vst.idx.msk $0xffff, v54;
	(v2sf) =	vpush v4, $0x7;
	s0 =	spop (v2sf);
	v6 =	vld [tilespmem:s31+$0x0]  }
0xda: {  	v55 =	vld [tilespmem:s5+$0x0];
	[tilespmem:v0+s26+$0x210 ss:$0x1] =	vst.idx.msk $0xffff, v8;
	s22 =	spop (v2sf)  }
0xdb: {  	(v2sf) =	vpush v5, $0x7;
	v8 =	vld [tilespmem:s24+$0x0];
	[tilespmem:v0+s26+$0x610 ss:$0x1] =	vst.idx.msk $0xffff, v9;
	s7 =	spop (v2sf)  }
0xdc: {  	v9 =	vld [tilespmem:s25+$0x0];
	s19 =	spop (v2sf);
	[tilespmem:v0+s26+$0x420 ss:$0x1] =	vst.idx.msk $0xffff, v10  }
0xdd: {  	(v2sf) =	vpush v3, $0x8;
	s6 =	spop (v2sf);
	v56 =	vld [tilespmem:s30+$0x10];
	[tilespmem:v0+s26+$0x20 ss:$0x1] =	vst.idx.msk $0xffff, v7  }
0xde: {  	(v2sf) =	vpush v4, $0x8;
	s30 =	spop (v2sf);
	[tilespmem:v0+s15+$0x580 ss:$0x1] =	vst.idx.msk $0xffff, v6;
	v7 =	vld [tilespmem:s23+$0x10]  }
0xdf: {  	[tilespmem:v0+s15+$0x350 ss:$0x1] =	vst.idx.msk $0xffff, v11;
	(v2sf) =	vpush v5, $0x8;
	v6 =	vld [tilespmem:s31+$0x10];
	s31 =	spop (v2sf)  }
0xe0: {  	(v2sf) =	vpush v3, $0x9;
	[tilespmem:v0+s26+$0x220 ss:$0x1] =	vst.idx.msk $0xffff, v8;
	s13 =	spop (v2sf)  }
0xe1: {  	[tilespmem:v0+s15+$0x160 ss:$0x1] =	vst.idx.msk $0xffff, v55;
	v8 =	vld [tilespmem:s24+$0x10];
	s23 =	spop (v2sf)  }
0xe2: {  	(v2sf) =	vpush v4, $0x9;
	[tilespmem:v0+s26+$0x620 ss:$0x1] =	vst.idx.msk $0xffff, v9;
	s24 =	spop (v2sf)  }
0xe3: {  	v9 =	vld [tilespmem:s25+$0x10];
	[tilespmem:v0+s26+$0x430 ss:$0x1] =	vst.idx.msk $0xffff, v56;
	s9 =	spop (v2sf)  }
0xe4: {  	v57 =	vld [tilespmem:s20+$0x0];
	(v2sf) =	vpush v5, $0x9;
	[tilespmem:v0+s26+$0x30 ss:$0x1] =	vst.idx.msk $0xffff, v7;
	s14 =	spop (v2sf)  }
0xe5: {  	(v2sf) =	vpush v1, $0x3;
	v11 =	vld [tilespmem:s9+$0x0];
	[tilespmem:v0+s15+$0x590 ss:$0x1] =	vst.idx.msk $0xffff, v6;
	s25 =	spop (v2sf)  }
0xe6: {  	(v2sf) =	vpush v2, $0xE;
	v7 =	vld [tilespmem:s3+$0x0];
	[tilespmem:v0+s26+$0x230 ss:$0x1] =	vst.idx.msk $0xffff, v8;
	s16 =	spop (v2sf)  }
0xe7: {  	(v2sf) =	vpush v3, $0xA;
	v6 =	vld [tilespmem:s14+$0x0];
	[smem:$0x7FA] =	sst s16  }
0xe8: {  	(v2sf) =	vpush v4, $0xA;
	s18 =	spop (v2sf);
	[tilespmem:v0+s26+$0x630 ss:$0x1] =	vst.idx.msk $0xffff, v9  }
0xe9: {  	v8 =	vld [tilespmem:s11+$0x0];
	[smem:$0x7FB] =	sst s18  }
0xea: {  	(v2sf) =	vpush v5, $0xA;
	s21 =	spop (v2sf);
	[tilespmem:v0+s15+$0x360 ss:$0x1] =	vst.idx.msk $0xffff, v57  }
0xeb: {  	(v2sf) =	vpush v3, $0xB;
	v9 =	vld [tilespmem:s12+$0x0];
	[smem:$0x7FC] =	sst s21  }
0xec: {  	s10 =	spop (v2sf);
	[tilespmem:v0+s26+$0x440 ss:$0x1] =	vst.idx.msk $0xffff, v11  }
0xed: {  	(v2sf) =	vpush v4, $0xB;
	s2 =	spop (v2sf);
	v58 =	vld [tilespmem:s17+$0x0];
	[tilespmem:v0+s15+$0x5A0 ss:$0x1] =	vst.idx.msk $0xffff, v6  }
0xee: {  	(v2sf) =	vpush v5, $0xB;
	[tilespmem:v0+s26+$0x40 ss:$0x1] =	vst.idx.msk $0xffff, v7;
	v11 =	vld [tilespmem:s9+$0x10];
	s9 =	spop (v2sf)  }
0xef: {  	(v2sf) =	vpush v3, $0xC;
	v6 =	vld [tilespmem:s14+$0x10];
	[tilespmem:v0+s26+$0x240 ss:$0x1] =	vst.idx.msk $0xffff, v8;
	s4 =	spop (v2sf)  }
0xf0: {  	(v2sf) =	vpush v4, $0xC;
	v7 =	vld [tilespmem:s3+$0x10];
	[dreg:$0xc] =	wrdreg s4  }
0xf1: {  	(v2sf) =	vpush v5, $0xC;
	v8 =	vld [tilespmem:s11+$0x10];
	[tilespmem:v0+s26+$0x640 ss:$0x1] =	vst.idx.msk $0xffff, v9;
	s11 =	spop (v2sf)  }
0xf2: {  	(v2sf) =	vpush v3, $0xD;
	[dreg:$0xb] =	wrdreg s11  }
0xf3: {  	s1 =	smov.u32 s28;
	(v2sf) =	vpush v1, $0x4;
	s28 =	spop (v2sf);
	[tilespmem:v0+s15+$0x760 ss:$0x1] =	vst.idx.msk $0xffff, v58  }
0xf4: {  	(v2sf) =	vpush v2, $0xF;
	v2 =	vld [tilespmem:s12+$0x10];
	[tilespmem:v0+s26+$0x450 ss:$0x1] =	vst.idx.msk $0xffff, v11;
	s12 =	spop (v2sf)  }
0xf5: {  	v59 =	vld [tilespmem:s5+$0x10];
	[tilespmem:v0+s15+$0x5B0 ss:$0x1] =	vst.idx.msk $0xffff, v6;
	s11 =	spop (v2sf)  }
0xf6: {  	[tilespmem:v0+s26+$0x50 ss:$0x1] =	vst.idx.msk $0xffff, v7;
	v60 =	vld [tilespmem:s12+$0x0];
	s16 =	spop (v2sf)  }
0xf7: {  	v7 =	vld [tilespmem:s8+$0x0];
	[tilespmem:v0+s26+$0x250 ss:$0x1] =	vst.idx.msk $0xffff, v8;
	s18 =	spop (v2sf)  }
0xf8: {  	v6 =	vld [tilespmem:s11+$0x0];
	[dreg:$0xe] =	wrdreg s18  }
0xf9: {  	s14 =	spop (v2sf);
	[tilespmem:v0+s26+$0x650 ss:$0x1] =	vst.idx.msk $0xffff, v2  }
0xfa: {  	(v2sf) =	vpush v4, $0xD;
	v8 =	vld [tilespmem:s0+$0x0];
	[tilespmem:v0+s15+$0x170 ss:$0x1] =	vst.idx.msk $0xffff, v59;
	s21 =	spop (v2sf)  }
0xfb: {  	v2 =	vld [tilespmem:s22+$0x0];
	[dreg:$0x9] =	wrdreg s21  }
0xfc: {  	(v2sf) =	vpush v5, $0xD;
	s4 =	spop (v2sf);
	[tilespmem:v0+s26+$0x460 ss:$0x1] =	vst.idx.msk $0xffff, v60  }
0xfd: {  	(v2sf) =	vpush v3, $0xE;
	v61 =	vld [tilespmem:s20+$0x10];
	[dreg:$0x7] =	wrdreg s4  }
0xfe: {  	(v2sf) =	vpush v4, $0xE;
	v10 =	vld [tilespmem:s12+$0x10];
	[tilespmem:v0+s15+$0x5C0 ss:$0x1] =	vst.idx.msk $0xffff, v6;
	s12 =	spop (v2sf)  }
0xff: {  	(v2sf) =	vpush v5, $0xE;
	[dreg:$0x8] =	wrdreg s12  }
0x100: {  	(v2sf) =	vpush v3, $0xF;
	v3 =	vld [tilespmem:s11+$0x10];
	[tilespmem:v0+s26+$0x60 ss:$0x1] =	vst.idx.msk $0xffff, v7  }
0x101: {  	s21 =	spop (v2sf);
	[tilespmem:v0+s26+$0x260 ss:$0x1] =	vst.idx.msk $0xffff, v8;
	v6 =	vld [tilespmem:s17+$0x10]  }
0x102: {  	(v2sf) =	vpush v4, $0xF;
	s12 =	spop (v2sf);
	[tilespmem:v0+s26+$0x660 ss:$0x1] =	vst.idx.msk $0xffff, v2;
	v4 =	vld [tilespmem:s8+$0x10]  }
0x103: {  	(v2sf) =	vpush v5, $0xF;
	v5 =	vld [tilespmem:s0+$0x10];
	s4 =	spop (v2sf);
	[tilespmem:v0+s15+$0x370 ss:$0x1] =	vst.idx.msk $0xffff, v61  }
0x104: {  	v2 =	vld [tilespmem:s22+$0x10];
	s11 =	spop (v2sf);
	[tilespmem:v0+s26+$0x470 ss:$0x1] =	vst.idx.msk $0xffff, v10  }
0x105: {  	s17 =	spop (v2sf);
	[tilespmem:v0+s15+$0x5D0 ss:$0x1] =	vst.idx.msk $0xffff, v3  }
0x106: {  	(v2sf) =	vpush v1, $0x5;
	v7 =	vld [tilespmem:s17+$0x0];
	s18 =	spop (v2sf);
	[tilespmem:v0+s15+$0x770 ss:$0x1] =	vst.idx.msk $0xffff, v6  }
0x107: {  	[tilespmem:v0+s26+$0x70 ss:$0x1] =	vst.idx.msk $0xffff, v4;
	v3 =	vld [tilespmem:s18+$0x0]  }
0x108: {  	[tilespmem:v0+s26+$0x270 ss:$0x1] =	vst.idx.msk $0xffff, v5;
	v4 =	vld [tilespmem:s7+$0x0]  }
0x109: {  	s0 =	spop (v2sf);
	[tilespmem:v0+s26+$0x670 ss:$0x1] =	vst.idx.msk $0xffff, v2;
	v5 =	vld [tilespmem:s19+$0x0]  }
0x10a: {  	v2 =	vld [tilespmem:s6+$0x0];
	[dreg:$0xa] =	wrdreg s0  }
0x10b: {  	[tilespmem:v0+s26+$0x480 ss:$0x1] =	vst.idx.msk $0xffff, v7  }
0x10c: {  	s20 =	sld [smem:$0x7F4]  }
0x10d: {  	s3 =	spop (v2sf);
	v7 =	vld [tilespmem:s17+$0x10];
	s5 =	rddreg [dreg:$0x10];
	[tilespmem:v0+s15+$0x5E0 ss:$0x1] =	vst.idx.msk $0xffff, v3  }
0x10e: {  	s22 =	spop (v2sf);
	v3 =	vld [tilespmem:s18+$0x10]  }
0x10f: {  	[tilespmem:v0+s26+$0x80 ss:$0x1] =	vst.idx.msk $0xffff, v4;
	s18 =	spop (v2sf);
	v6 =	vld [tilespmem:s20+$0x0]  }
0x110: {  	[tilespmem:v0+s26+$0x280 ss:$0x1] =	vst.idx.msk $0xffff, v5;
	v4 =	vld [tilespmem:s7+$0x10];
	s7 =	spop (v2sf)  }
0x111: {  	[dreg:$0x11] =	wrdreg s7  }
0x112: {  	s17 =	spop (v2sf);
	[tilespmem:v0+s26+$0x680 ss:$0x1] =	vst.idx.msk $0xffff, v2  }
0x113: {  	s7 =	spop (v2sf);
	[tilespmem:v0+s26+$0x490 ss:$0x1] =	vst.idx.msk $0xffff, v7  }
0x114: {  	v5 =	vld [tilespmem:s19+$0x10];
	s19 =	spop (v2sf);
	[tilespmem:v0+s15+$0x180 ss:$0x1] =	vst.idx.msk $0xffff, v6  }
0x115: {  	v2 =	vld [tilespmem:s6+$0x10];
	s6 =	smov.u32 s10;
	s0 =	spop (v2sf);
	s10 =	sld [smem:$0x7F5];
	[tilespmem:v0+s15+$0x5F0 ss:$0x1] =	vst.idx.msk $0xffff, v3  }
0x116: {  	s8 =	smov.u32 s2;
	s2 =	sld [smem:$0x7F6];
	[tilespmem:v0+s26+$0x90 ss:$0x1] =	vst.idx.msk $0xffff, v4;
	v4 =	vld [tilespmem:s0+$0x0]  }
0x117: {  	v7 =	vld [tilespmem:s30+$0x0]  }
0x118: {  	(v2sf) =	vpush v1, $0x6;
	v6 =	vld [tilespmem:s10+$0x0]  }
0x119: {  	[tilespmem:v0+s26+$0x290 ss:$0x1] =	vst.idx.msk $0xffff, v5;
	v3 =	vld [tilespmem:s2+$0x0]  }
0x11a: {  	v5 =	vld [tilespmem:s31+$0x0];
	[tilespmem:v0+s26+$0x690 ss:$0x1] =	vst.idx.msk $0xffff, v2  }
0x11b: {  	v2 =	vld [tilespmem:s13+$0x0];
	[tilespmem:v0+s26+$0x4A0 ss:$0x1] =	vst.idx.msk $0xffff, v4  }
0x11c: {  	v4 =	vld [tilespmem:s0+$0x10];
	[tilespmem:v0+s26+$0xA0 ss:$0x1] =	vst.idx.msk $0xffff, v7  }
0x11d: {  	[tilespmem:v0+s15+$0x380 ss:$0x1] =	vst.idx.msk $0xffff, v6;
	v6 =	vld [tilespmem:s20+$0x10]  }
0x11e: {  	[tilespmem:v0+s15+$0x780 ss:$0x1] =	vst.idx.msk $0xffff, v3;
	v3 =	vld [tilespmem:s10+$0x10]  }
0x11f: {  	[tilespmem:v0+s26+$0x2A0 ss:$0x1] =	vst.idx.msk $0xffff, v5  }
0x120: {  	[tilespmem:v0+s26+$0x6A0 ss:$0x1] =	vst.idx.msk $0xffff, v2  }
0x121: {  	[tilespmem:v0+s26+$0x4B0 ss:$0x1] =	vst.idx.msk $0xffff, v4  }
0x122: {  	v7 =	vld [tilespmem:s30+$0x10];
	[tilespmem:v0+s15+$0x190 ss:$0x1] =	vst.idx.msk $0xffff, v6  }
0x123: {  	v5 =	vld [tilespmem:s31+$0x10];
	[tilespmem:v0+s15+$0x390 ss:$0x1] =	vst.idx.msk $0xffff, v3  }
0x124: {  	v2 =	vld [tilespmem:s13+$0x10];
	s13 =	sld [smem:$0x7F7];
	_ =	sdelay $0x1  }
0x125: {  	v6 =	vld [tilespmem:s2+$0x10]  }
0x126: {  	(v2sf) =	vpush v1, $0x7;
	s30 =	spop (v2sf);
	v3 =	vld [tilespmem:s13+$0x0]  }
0x127: {  	v4 =	vld [tilespmem:s30+$0x0];
	[tilespmem:v0+s26+$0xB0 ss:$0x1] =	vst.idx.msk $0xffff, v7  }
0x128: {  	[tilespmem:v0+s26+$0x2B0 ss:$0x1] =	vst.idx.msk $0xffff, v5;
	v7 =	vld [tilespmem:s23+$0x0]  }
0x129: {  	[tilespmem:v0+s26+$0x6B0 ss:$0x1] =	vst.idx.msk $0xffff, v2  }
0x12a: {  	[tilespmem:v0+s15+$0x790 ss:$0x1] =	vst.idx.msk $0xffff, v6  }
0x12b: {  	v5 =	vld [tilespmem:s24+$0x0];
	[tilespmem:v0+s15+$0x1A0 ss:$0x1] =	vst.idx.msk $0xffff, v3  }
0x12c: {  	v2 =	vld [tilespmem:s25+$0x0];
	s31 =	sld [smem:$0x7F8];
	[tilespmem:v0+s26+$0x4C0 ss:$0x1] =	vst.idx.msk $0xffff, v4  }
0x12d: {  	s2 =	sld [smem:$0x7F9];
	v6 =	vld [tilespmem:s30+$0x10];
	[tilespmem:v0+s26+$0xC0 ss:$0x1] =	vst.idx.msk $0xffff, v7  }
0x12e: {  	v7 =	vld [tilespmem:s23+$0x10]  }
0x12f: {  	v3 =	vld [tilespmem:s31+$0x0]  }
0x130: {  	[tilespmem:v0+s26+$0x2C0 ss:$0x1] =	vst.idx.msk $0xffff, v5;
	v4 =	vld [tilespmem:s2+$0x0]  }
0x131: {  	[tilespmem:v0+s26+$0x6C0 ss:$0x1] =	vst.idx.msk $0xffff, v2;
	v5 =	vld [tilespmem:s24+$0x10]  }
0x132: {  	v2 =	vld [tilespmem:s25+$0x10];
	[tilespmem:v0+s26+$0x4D0 ss:$0x1] =	vst.idx.msk $0xffff, v6  }
0x133: {  	[tilespmem:v0+s26+$0xD0 ss:$0x1] =	vst.idx.msk $0xffff, v7  }
0x134: {  	[tilespmem:v0+s15+$0x3A0 ss:$0x1] =	vst.idx.msk $0xffff, v3  }
0x135: {  	(v2sf) =	vpush v1, $0x8;
	s24 =	spop (v2sf);
	[tilespmem:v0+s15+$0x7A0 ss:$0x1] =	vst.idx.msk $0xffff, v4  }
0x136: {  	v6 =	vld [tilespmem:s24+$0x0];
	s25 =	sld [smem:$0x7FA];
	[tilespmem:v0+s26+$0x2D0 ss:$0x1] =	vst.idx.msk $0xffff, v5  }
0x137: {  	v3 =	vld [tilespmem:s13+$0x10];
	s30 =	sld [smem:$0x7FB];
	[tilespmem:v0+s26+$0x6D0 ss:$0x1] =	vst.idx.msk $0xffff, v2  }
0x138: {  	v4 =	vld [tilespmem:s31+$0x10];
	s31 =	sld [smem:$0x7FC]  }
0x139: {  	v7 =	vld [tilespmem:s25+$0x0]  }
0x13a: {  	v5 =	vld [tilespmem:s30+$0x0]  }
0x13b: {  	[tilespmem:v0+s26+$0x4E0 ss:$0x1] =	vst.idx.msk $0xffff, v6;
	v2 =	vld [tilespmem:s31+$0x0]  }
0x13c: {  	[tilespmem:v0+s15+$0x1B0 ss:$0x1] =	vst.idx.msk $0xffff, v3;
	v3 =	vld [tilespmem:s2+$0x10]  }
0x13d: {  	[tilespmem:v0+s15+$0x3B0 ss:$0x1] =	vst.idx.msk $0xffff, v4;
	v4 =	vld [tilespmem:s5+$0x0]  }
0x13e: {  	v6 =	vld [tilespmem:s24+$0x10];
	[tilespmem:v0+s26+$0xE0 ss:$0x1] =	vst.idx.msk $0xffff, v7  }
0x13f: {  	v63 =	vld [tilespmem:s1+$0x0];
	[tilespmem:v0+s26+$0x2E0 ss:$0x1] =	vst.idx.msk $0xffff, v5  }
0x140: {  	v7 =	vld [tilespmem:s25+$0x10];
	s10 =	rddreg [dreg:$0xd];
	[tilespmem:v0+s26+$0x6E0 ss:$0x1] =	vst.idx.msk $0xffff, v2  }
0x141: {  	v8 =	vld [tilespmem:s30+$0x10];
	[tilespmem:v0+s15+$0x7B0 ss:$0x1] =	vst.idx.msk $0xffff, v3  }
0x142: {  	[tilespmem:v0+s15+$0x1C0 ss:$0x1] =	vst.idx.msk $0xffff, v4;
	v62 =	vld [tilespmem:s31+$0x10]  }
0x143: {  	[tilespmem:v0+s26+$0x4F0 ss:$0x1] =	vst.idx.msk $0xffff, v6  }
0x144: {  	s0 =	spop (v2sf);
	[tilespmem:v0+s15+$0x3C0 ss:$0x1] =	vst.idx.msk $0xffff, v63;
	v2 =	vld [tilespmem:s10+$0x0]  }
0x145: {  	v6 =	vld [tilespmem:s0+$0x0];
	[tilespmem:v0+s26+$0xF0 ss:$0x1] =	vst.idx.msk $0xffff, v7  }
0x146: {  	v5 =	vld [tilespmem:s6+$0x0];
	[tilespmem:v0+s26+$0x2F0 ss:$0x1] =	vst.idx.msk $0xffff, v8  }
0x147: {  	v4 =	vld [tilespmem:s8+$0x0];
	[tilespmem:v0+s26+$0x6F0 ss:$0x1] =	vst.idx.msk $0xffff, v62  }
0x148: {  	s20 =	smov.u32 s7;
	(v2sf) =	vpush v1, $0x9;
	s13 =	simm.s32 $0x4;
	v3 =	vld [tilespmem:s9+$0x0];
	[smem:$0x7FD] =	sst s15  }
.LBB2_3:
0x149: {  	_ =	sdelay $0x5  }
0x14a: {  	[dreg:$0x14] =	wrdreg s11;
	v7 =	vld [tilespmem:s5+$0x10];
	[tilespmem:v0+s15+$0x7C0 ss:$0x1] =	vst.idx.msk $0xffff, v2  }
0x14b: {  	s2 =	rddreg [dreg:$0x3];
	s29 =	sadd.s32 $0x40, s29;
	v2 =	vld [tilespmem:s1+$0x10];
	[tilespmem:v0+s26+$0x100 ss:$0x1] =	vst.idx.msk $0xffff, v5  }
0x14c: {  	[dreg:$0x13] =	wrdreg s4;
	s31 =	sadd.s32 s29, s2;
	[tilespmem:v0+s26+$0x500 ss:$0x1] =	vst.idx.msk $0xffff, v6;
	v6 =	vld [tilespmem:s6+$0x10]  }
0x14d: {  	[dreg:$0x12] =	wrdreg s3;
	s4 =	sadd.s32 $0xFFFFFFF0, s29;
	s7 =	sadd.s32 $0xFFFFFFF0, s31;
	[tilespmem:v0+s26+$0x300 ss:$0x1] =	vst.idx.msk $0xffff, v4;
	v5 =	vld [tilespmem:s0+$0x10]  }
0x14e: {  	s30 =	smov.u32 s18;
	s7 =	sand.u32 $0xF80, s7;
	[tilespmem:v0+s26+$0x700 ss:$0x1] =	vst.idx.msk $0xffff, v3;
	v4 =	vld [tilespmem:s8+$0x10];
	s6 =	sand.u32 $0x60, s4  }
0x14f: {  	(v2sf) =	vpush v1, $0xA;
	[dreg:$0xf] =	wrdreg s30;
	v3 =	vld [tilespmem:s9+$0x10];
	[tilespmem:v0+s15+$0x1D0 ss:$0x1] =	vst.idx.msk $0xffff, v7;
	s6 =	sor.u32 s6, s7  }
0x150: {  	s25 =	smov.u32 s22;
	s18 =	sadd.s32 $0xFFFFFFD0, s29;
	s30 =	rddreg [dreg:$0xc];
	v7 =	vld [tilespmem:s6+$0x400];
	[tilespmem:v0+s15+$0x3D0 ss:$0x1] =	vst.idx.msk $0xffff, v2  }
0x151: {  	s3 =	sadd.s32 $0xFFFFFFD0, s31;
	s11 =	sadd.s32 $0xFFFFFFE0, s31;
	s24 =	sand.u32 $0x40, s18;
	v2 =	vld [tilespmem:s10+$0x10];
	[tilespmem:v0+s26+$0x110 ss:$0x1] =	vst.idx.msk $0xffff, v6  }
0x152: {  	s1 =	sadd.s32 $0xFFFFFFE0, s29;
	s5 =	sand.u32 $0xF80, s3;
	[tilespmem:v0+s26+$0x510 ss:$0x1] =	vst.idx.msk $0xffff, v5;
	v6 =	vld [tilespmem:s30+$0x0];
	s23 =	spop (v2sf)  }
0x153: {  	s22 =	sand.u32 $0xF80, s11;
	s2 =	sand.u32 $0x50, s1;
	s5 =	sor.u32 s24, s5;
	v5 =	vld [tilespmem:s23+$0x0]  }
0x154: {  	[dreg:$0x10] =	wrdreg s25;
	s2 =	sor.u32 s2, s22;
	[tilespmem:v0+s26+$0x310 ss:$0x1] =	vst.idx.msk $0xffff, v4;
	v4 =	vld [tilespmem:s5+$0x400]  }
0x155: {  	s25 =	sand.u32 $0x70, s29;
	s0 =	sand.u32 $0xF80, s31;
	s4 =	rddreg [dreg:$0xb];
	[tilespmem:v0+s26+$0x710 ss:$0x1] =	vst.idx.msk $0xffff, v3;
	v3 =	vld [tilespmem:s2+$0x400]  }
0x156: {  	s0 =	sor.u32 s25, s0;
	[tilespmem:v0+s15+$0x7D0 ss:$0x1] =	vst.idx.msk $0xffff, v2;
	v2 =	vshll.u32 v7, $0x7;
	v7 =	vld [tilespmem:s4+$0x0]  }
0x157: {  	v8 =	vld [tilespmem:s0+$0x400]  }
0x158: {  	[tilespmem:v0+s26+$0x520 ss:$0x1] =	vst.idx.msk $0xffff, v5  }
0x159: {  	[tilespmem:v0+s26+$0x120 ss:$0x1] =	vst.idx.msk $0xffff, v6;
	v5 =	vshra.s32 v2, $0x2;
	v6 =	vld [tilespmem:s23+$0x10]  }
0x15a: {  	v9 =	vld [tilespmem:s28+$0x0];
	v2 =	vshll.u32 v4, $0x7;
	(v2sf) =	vpush v5, $0x0  }
0x15b: {  	s6 =	rddreg [dreg:$0x4];
	v3 =	vshll.u32 v3, $0x7;
	v10 =	vld [tilespmem:s30+$0x10];
	[tilespmem:v0+s26+$0x320 ss:$0x1] =	vst.idx.msk $0xffff, v7;
	v2 =	vshra.s32 v2, $0x2;
	(v2sf) =	vpush v1, $0xB  }
0x15c: {  	v3 =	vshra.s32 v3, $0x2;
	v7 =	vld [tilespmem:s6+$0x0];
	v4 =	vshll.u32 v8, $0x7;
	(v2sf) =	vpush v2, $0x0  }
0x15d: {  	s5 =	rddreg [dreg:$0x6];
	v11 =	vld [tilespmem:s4+$0x10];
	v4 =	vshra.s32 v4, $0x2;
	(v2sf) =	vpush v3, $0x0  }
0x15e: {  	s7 =	spop (v2sf);
	v8 =	vld [tilespmem:s5+$0x0];
	(v2sf) =	vpush v4, $0x0;
	[tilespmem:v0+s26+$0x530 ss:$0x1] =	vst.idx.msk $0xffff, v6  }
0x15f: {  	[tilespmem:v0+s26+$0x720 ss:$0x1] =	vst.idx.msk $0xffff, v9;
	(v2sf) =	vpush v2, $0x1;
	v6 =	vld [tilespmem:s7+$0x0]  }
0x160: {  	v9 =	vld [tilespmem:s28+$0x10];
	[tilespmem:v0+s26+$0x130 ss:$0x1] =	vst.idx.msk $0xffff, v10;
	(v2sf) =	vpush v3, $0x1  }
0x161: {  	s8 =	rddreg [dreg:$0x5];
	v10 =	vld [tilespmem:s16+$0x0];
	[tilespmem:v0+s15+$0x3E0 ss:$0x1] =	vst.idx.msk $0xffff, v7;
	(v2sf) =	vpush v4, $0x1  }
0x162: {  	s10 =	rddreg [dreg:$0xe];
	v7 =	vld [tilespmem:s8+$0x0];
	[tilespmem:v0+s26+$0x330 ss:$0x1] =	vst.idx.msk $0xffff, v11;
	(v2sf) =	vpush v2, $0x2  }
0x163: {  	[tilespmem:v0+s15+$0x1E0 ss:$0x1] =	vst.idx.msk $0xffff, v8;
	v11 =	vld [tilespmem:s10+$0x0];
	(v2sf) =	vpush v3, $0x2  }
0x164: {  	v8 =	vld [tilespmem:s5+$0x10];
	(v2sf) =	vpush v4, $0x2;
	[tilespmem:v0+s26+$0x540 ss:$0x1] =	vst.idx.msk $0xffff, v6  }
0x165: {  	[tilespmem:v0+s26+$0x730 ss:$0x1] =	vst.idx.msk $0xffff, v9;
	(v2sf) =	vpush v2, $0x3;
	v6 =	vld [tilespmem:s7+$0x10]  }
0x166: {  	v9 =	vld [tilespmem:s14+$0x0];
	[tilespmem:v0+s26+$0x140 ss:$0x1] =	vst.idx.msk $0xffff, v10;
	(v2sf) =	vpush v5, $0x1  }
0x167: {  	v10 =	vld [tilespmem:s16+$0x10];
	[tilespmem:v0+s15+$0x7E0 ss:$0x1] =	vst.idx.msk $0xffff, v7;
	(v2sf) =	vpush v1, $0xC  }
0x168: {  	v7 =	vld [tilespmem:s6+$0x10];
	[tilespmem:v0+s26+$0x340 ss:$0x1] =	vst.idx.msk $0xffff, v11;
	(v2sf) =	vpush v3, $0x3  }
0x169: {  	[tilespmem:v0+s15+$0x1F0 ss:$0x1] =	vst.idx.msk $0xffff, v8;
	v8 =	vld [tilespmem:s8+$0x10];
	s16 =	spop (v2sf);
	(v2sf) =	vpush v4, $0x3  }
0x16a: {  	v60 =	vld [tilespmem:s16+$0x0];
	(v2sf) =	vpush v2, $0x4;
	s18 =	spop (v2sf);
	[tilespmem:v0+s26+$0x550 ss:$0x1] =	vst.idx.msk $0xffff, v6  }
0x16b: {  	s9 =	smov.u32 s17;
	s17 =	smov.u32 s19;
	[tilespmem:v0+s26+$0x740 ss:$0x1] =	vst.idx.msk $0xffff, v9;
	s19 =	spop (v2sf);
	(v2sf) =	vpush v3, $0x4;
	v6 =	vld [tilespmem:s18+$0x0]  }
0x16c: {  	s11 =	smov.u32 s20;
	v61 =	vld [tilespmem:s19+$0x0];
	s20 =	spop (v2sf);
	(v2sf) =	vpush v4, $0x4;
	[tilespmem:v0+s26+$0x150 ss:$0x1] =	vst.idx.msk $0xffff, v10  }
0x16d: {  	v62 =	vld [tilespmem:s20+$0x0];
	(v2sf) =	vpush v2, $0x5;
	s22 =	spop (v2sf);
	[tilespmem:v0+s15+$0x3F0 ss:$0x1] =	vst.idx.msk $0xffff, v7  }
0x16e: {  	v7 =	vld [tilespmem:s22+$0x0];
	s23 =	spop (v2sf);
	(v2sf) =	vpush v3, $0x5;
	[tilespmem:v0+s15+$0x7F0 ss:$0x1] =	vst.idx.msk $0xffff, v8;
	s15 =	smov.u32 s26;
	s26 =	sadd.s32 $0x800, s26  }
0x16f: {  	v8 =	vld [tilespmem:s10+$0x10];
	[tilespmem:v0+s26+$0x400 ss:$0x1] =	vst.idx.msk $0xffff, v60;
	s24 =	spop (v2sf);
	(v2sf) =	vpush v4, $0x5  }
0x170: {  	s31 =	rddreg [dreg:$0x11];
	v11 =	vld [tilespmem:s16+$0x10];
	(v2sf) =	vpush v2, $0x6;
	s25 =	spop (v2sf);
	[tilespmem:v0+s15+$0x560 ss:$0x1] =	vst.idx.msk $0xffff, v6  }
0x171: {  	s3 =	smov.u32 s31;
	[tilespmem:v0+s26+$0x0 ss:$0x1] =	vst.idx.msk $0xffff, v61;
	s1 =	spop (v2sf);
	(v2sf) =	vpush v3, $0x6;
	v6 =	vld [tilespmem:s18+$0x10]  }
0x172: {  	[dreg:$0xd] =	wrdreg s3;
	v9 =	vld [tilespmem:s19+$0x10];
	[tilespmem:v0+s26+$0x200 ss:$0x1] =	vst.idx.msk $0xffff, v62;
	s3 =	spop (v2sf);
	(v2sf) =	vpush v5, $0x2  }
0x173: {  	v10 =	vld [tilespmem:s20+$0x10];
	[tilespmem:v0+s26+$0x600 ss:$0x1] =	vst.idx.msk $0xffff, v7;
	s8 =	spop (v2sf);
	(v2sf) =	vpush v1, $0xD  }
0x174: {  	[tilespmem:v0+s15+$0x350 ss:$0x1] =	vst.idx.msk $0xffff, v8;
	v7 =	vld [tilespmem:s22+$0x10];
	s7 =	spop (v2sf);
	(v2sf) =	vpush v4, $0x6  }
0x175: {  	v8 =	vld [tilespmem:s14+$0x10];
	[tilespmem:v0+s26+$0x410 ss:$0x1] =	vst.idx.msk $0xffff, v11;
	(v2sf) =	vpush v2, $0x7;
	s30 =	spop (v2sf)  }
0x176: {  	v11 =	vld [tilespmem:s30+$0x0];
	(v2sf) =	vpush v3, $0x7;
	s31 =	spop (v2sf);
	[tilespmem:v0+s15+$0x570 ss:$0x1] =	vst.idx.msk $0xffff, v6  }
0x177: {  	[dreg:$0x5] =	wrdreg s17;
	[tilespmem:v0+s26+$0x10 ss:$0x1] =	vst.idx.msk $0xffff, v9;
	s17 =	spop (v2sf);
	(v2sf) =	vpush v4, $0x7;
	v6 =	vld [tilespmem:s31+$0x0]  }
0x178: {  	v9 =	vld [tilespmem:s23+$0x0];
	[tilespmem:v0+s26+$0x210 ss:$0x1] =	vst.idx.msk $0xffff, v10;
	(v2sf) =	vpush v2, $0x8;
	s20 =	spop (v2sf)  }
0x179: {  	v10 =	vld [tilespmem:s24+$0x0];
	[tilespmem:v0+s26+$0x610 ss:$0x1] =	vst.idx.msk $0xffff, v7;
	s19 =	spop (v2sf);
	(v2sf) =	vpush v3, $0x8  }
0x17a: {  	s14 =	rddreg [dreg:$0x9];
	v7 =	vld [tilespmem:s25+$0x0];
	s5 =	spop (v2sf);
	(v2sf) =	vpush v4, $0x8;
	[tilespmem:v0+s15+$0x750 ss:$0x1] =	vst.idx.msk $0xffff, v8  }
0x17b: {  	v8 =	vld [tilespmem:s14+$0x0];
	[tilespmem:v0+s26+$0x420 ss:$0x1] =	vst.idx.msk $0xffff, v11;
	(v2sf) =	vpush v2, $0x9;
	s6 =	spop (v2sf)  }
0x17c: {  	v11 =	vld [tilespmem:s30+$0x10];
	s0 =	spop (v2sf);
	(v2sf) =	vpush v3, $0x9;
	[tilespmem:v0+s15+$0x580 ss:$0x1] =	vst.idx.msk $0xffff, v6  }
0x17d: {  	[tilespmem:v0+s26+$0x20 ss:$0x1] =	vst.idx.msk $0xffff, v9;
	s2 =	spop (v2sf);
	(v2sf) =	vpush v4, $0x9;
	v6 =	vld [tilespmem:s31+$0x10]  }
0x17e: {  	v9 =	vld [tilespmem:s23+$0x10];
	[tilespmem:v0+s26+$0x220 ss:$0x1] =	vst.idx.msk $0xffff, v10;
	(v2sf) =	vpush v5, $0x3;
	s10 =	spop (v2sf)  }
0x17f: {  	[dreg:$0x6] =	wrdreg s9;
	v10 =	vld [tilespmem:s24+$0x10];
	[tilespmem:v0+s26+$0x620 ss:$0x1] =	vst.idx.msk $0xffff, v7;
	s9 =	spop (v2sf);
	(v2sf) =	vpush v1, $0xE  }
0x180: {  	s22 =	rddreg [dreg:$0x7];
	[tilespmem:v0+s15+$0x160 ss:$0x1] =	vst.idx.msk $0xffff, v8;
	v7 =	vld [tilespmem:s25+$0x10];
	(v2sf) =	vpush v2, $0xA;
	s30 =	spop (v2sf)  }
0x181: {  	[dreg:$0x4] =	wrdreg s11;
	v8 =	vld [tilespmem:s22+$0x0];
	[tilespmem:v0+s26+$0x430 ss:$0x1] =	vst.idx.msk $0xffff, v11;
	(v2sf) =	vpush v3, $0xA;
	s11 =	spop (v2sf)  }
0x182: {  	v11 =	vld [tilespmem:s11+$0x0];
	(v2sf) =	vpush v4, $0xA;
	s16 =	spop (v2sf);
	[tilespmem:v0+s15+$0x590 ss:$0x1] =	vst.idx.msk $0xffff, v6  }
0x183: {  	[tilespmem:v0+s26+$0x30 ss:$0x1] =	vst.idx.msk $0xffff, v9;
	(v2sf) =	vpush v2, $0xB;
	s31 =	spop (v2sf);
	v6 =	vld [tilespmem:s16+$0x0]  }
0x184: {  	v9 =	vld [tilespmem:s1+$0x0];
	[tilespmem:v0+s26+$0x230 ss:$0x1] =	vst.idx.msk $0xffff, v10;
	s18 =	spop (v2sf);
	(v2sf) =	vpush v3, $0xB  }
0x185: {  	v10 =	vld [tilespmem:s3+$0x0];
	[tilespmem:v0+s26+$0x630 ss:$0x1] =	vst.idx.msk $0xffff, v7;
	s23 =	spop (v2sf);
	(v2sf) =	vpush v4, $0xB  }
0x186: {  	s28 =	rddreg [dreg:$0x8];
	[tilespmem:v0+s15+$0x360 ss:$0x1] =	vst.idx.msk $0xffff, v8;
	v7 =	vld [tilespmem:s8+$0x0];
	(v2sf) =	vpush v2, $0xC;
	s24 =	spop (v2sf)  }
0x187: {  	v8 =	vld [tilespmem:s28+$0x0];
	[dreg:$0x17] =	wrdreg s24;
	[tilespmem:v0+s26+$0x440 ss:$0x1] =	vst.idx.msk $0xffff, v11;
	s24 =	spop (v2sf);
	(v2sf) =	vpush v3, $0xC  }
0x188: {  	v11 =	vld [tilespmem:s11+$0x10];
	s25 =	spop (v2sf);
	(v2sf) =	vpush v4, $0xC;
	[tilespmem:v0+s15+$0x5A0 ss:$0x1] =	vst.idx.msk $0xffff, v6  }
0x189: {  	[dreg:$0x18] =	wrdreg s25;
	[tilespmem:v0+s26+$0x40 ss:$0x1] =	vst.idx.msk $0xffff, v9;
	(v2sf) =	vpush v2, $0xD;
	s25 =	spop (v2sf);
	v6 =	vld [tilespmem:s16+$0x10]  }
0x18a: {  	v9 =	vld [tilespmem:s1+$0x10];
	[tilespmem:v0+s26+$0x240 ss:$0x1] =	vst.idx.msk $0xffff, v10;
	s4 =	spop (v2sf);
	(v2sf) =	vpush v5, $0x4  }
0x18b: {  	[dreg:$0x19] =	wrdreg s9;
	v10 =	vld [tilespmem:s3+$0x10];
	[tilespmem:v0+s26+$0x640 ss:$0x1] =	vst.idx.msk $0xffff, v7;
	s9 =	spop (v2sf);
	(v2sf) =	vpush v1, $0xF  }
0x18c: {  	[dreg:$0x16] =	wrdreg s23;
	v1 =	vmov v5;
	v5 =	vld [tilespmem:s8+$0x10];
	s23 =	spop (v2sf);
	[tilespmem:v0+s15+$0x760 ss:$0x1] =	vst.idx.msk $0xffff, v8  }
0x18d: {  	v7 =	vld [tilespmem:s14+$0x10];
	(v2sf) =	vpush v3, $0xD;
	[tilespmem:v0+s26+$0x450 ss:$0x1] =	vst.idx.msk $0xffff, v11;
	s11 =	spop (v2sf)  }
0x18e: {  	(v2sf) =	vpush v4, $0xD;
	v8 =	vld [tilespmem:s11+$0x0];
	s3 =	spop (v2sf);
	[tilespmem:v0+s15+$0x5B0 ss:$0x1] =	vst.idx.msk $0xffff, v6  }
0x18f: {  	(v2sf) =	vpush v2, $0xE;
	[tilespmem:v0+s26+$0x50 ss:$0x1] =	vst.idx.msk $0xffff, v9;
	s16 =	spop (v2sf);
	v6 =	vld [tilespmem:s3+$0x0]  }
0x190: {  	[dreg:$0xb] =	wrdreg s9;
	(v2sf) =	vpush v3, $0xE;
	v9 =	vld [tilespmem:s7+$0x0];
	[tilespmem:v0+s26+$0x250 ss:$0x1] =	vst.idx.msk $0xffff, v10;
	s9 =	spop (v2sf)  }
0x191: {  	(v2sf) =	vpush v4, $0xE;
	[dreg:$0xe] =	wrdreg s9;
	v10 =	vld [tilespmem:s17+$0x0];
	[tilespmem:v0+s26+$0x650 ss:$0x1] =	vst.idx.msk $0xffff, v5;
	s9 =	spop (v2sf)  }
0x192: {  	[tilespmem:v0+s15+$0x170 ss:$0x1] =	vst.idx.msk $0xffff, v7;
	(v2sf) =	vpush v2, $0xF;
	v2 =	vld [tilespmem:s20+$0x0];
	s14 =	spop (v2sf)  }
0x193: {  	[dreg:$0x15] =	wrdreg s18;
	(v2sf) =	vpush v3, $0xF;
	v3 =	vld [tilespmem:s22+$0x10];
	[tilespmem:v0+s26+$0x460 ss:$0x1] =	vst.idx.msk $0xffff, v8;
	s18 =	spop (v2sf)  }
0x194: {  	(v2sf) =	vpush v4, $0xF;
	v4 =	vld [tilespmem:s11+$0x10];
	s22 =	spop (v2sf);
	[tilespmem:v0+s15+$0x5C0 ss:$0x1] =	vst.idx.msk $0xffff, v6  }
0x195: {  	[dreg:$0xc] =	wrdreg s4;
	[tilespmem:v0+s26+$0x60 ss:$0x1] =	vst.idx.msk $0xffff, v9;
	s4 =	spop (v2sf);
	v5 =	vld [tilespmem:s3+$0x10]  }
0x196: {  	[dreg:$0x9] =	wrdreg s14;
	v6 =	vld [tilespmem:s7+$0x10];
	[tilespmem:v0+s26+$0x260 ss:$0x1] =	vst.idx.msk $0xffff, v10;
	s14 =	spop (v2sf)  }
0x197: {  	(v2sf) =	vpush v1, $0x5;
	v7 =	vld [tilespmem:s17+$0x10];
	[tilespmem:v0+s26+$0x660 ss:$0x1] =	vst.idx.msk $0xffff, v2;
	s11 =	spop (v2sf)  }
0x198: {  	[tilespmem:v0+s15+$0x370 ss:$0x1] =	vst.idx.msk $0xffff, v3;
	v2 =	vld [tilespmem:s20+$0x10];
	s7 =	spop (v2sf)  }
0x199: {  	v3 =	vld [tilespmem:s28+$0x10];
	[tilespmem:v0+s26+$0x470 ss:$0x1] =	vst.idx.msk $0xffff, v4;
	s20 =	spop (v2sf)  }
0x19a: {  	v4 =	vld [tilespmem:s20+$0x0];
	s1 =	spop (v2sf);
	[tilespmem:v0+s15+$0x5D0 ss:$0x1] =	vst.idx.msk $0xffff, v5  }
0x19b: {  	s28 =	smov.u32 s23;
	s23 =	smov.u32 s22;
	[tilespmem:v0+s26+$0x70 ss:$0x1] =	vst.idx.msk $0xffff, v6;
	v5 =	vld [tilespmem:s1+$0x0]  }
0x19c: {  	[dreg:$0x8] =	wrdreg s23;
	s23 =	spop (v2sf);
	v6 =	vld [tilespmem:s19+$0x0];
	[tilespmem:v0+s26+$0x270 ss:$0x1] =	vst.idx.msk $0xffff, v7  }
0x19d: {  	s8 =	spop (v2sf);
	v7 =	vld [tilespmem:s5+$0x0];
	[tilespmem:v0+s26+$0x670 ss:$0x1] =	vst.idx.msk $0xffff, v2  }
0x19e: {  	s22 =	spop (v2sf);
	v2 =	vld [tilespmem:s6+$0x0];
	[tilespmem:v0+s15+$0x770 ss:$0x1] =	vst.idx.msk $0xffff, v3  }
0x19f: {  	[dreg:$0x7] =	wrdreg s18;
	s18 =	spop (v2sf);
	v3 =	vld [tilespmem:s21+$0x0];
	[tilespmem:v0+s26+$0x480 ss:$0x1] =	vst.idx.msk $0xffff, v4  }
0x1a0: {  	s17 =	spop (v2sf);
	v4 =	vld [tilespmem:s20+$0x10];
	[tilespmem:v0+s15+$0x5E0 ss:$0x1] =	vst.idx.msk $0xffff, v5  }
0x1a1: {  	[dreg:$0x11] =	wrdreg s17;
	s17 =	spop (v2sf);
	[tilespmem:v0+s26+$0x80 ss:$0x1] =	vst.idx.msk $0xffff, v6;
	v5 =	vld [tilespmem:s1+$0x10]  }
0x1a2: {  	s20 =	spop (v2sf);
	v6 =	vld [tilespmem:s19+$0x10];
	[tilespmem:v0+s26+$0x280 ss:$0x1] =	vst.idx.msk $0xffff, v7  }
0x1a3: {  	s19 =	spop (v2sf);
	(v2sf) =	vpush v1, $0x6;
	v7 =	vld [tilespmem:s5+$0x10];
	[tilespmem:v0+s26+$0x680 ss:$0x1] =	vst.idx.msk $0xffff, v2  }
0x1a4: {  	[tilespmem:v0+s15+$0x180 ss:$0x1] =	vst.idx.msk $0xffff, v3;
	v2 =	vld [tilespmem:s6+$0x10]  }
0x1a5: {  	v3 =	vld [tilespmem:s12+$0x0];
	s6 =	smov.u32 s24;
	s24 =	rddreg [dreg:$0x13];
	[tilespmem:v0+s26+$0x490 ss:$0x1] =	vst.idx.msk $0xffff, v4  }
0x1a6: {  	s1 =	spop (v2sf);
	v4 =	vld [tilespmem:s24+$0x0];
	[tilespmem:v0+s15+$0x5F0 ss:$0x1] =	vst.idx.msk $0xffff, v5  }
0x1a7: {  	[tilespmem:v0+s26+$0x90 ss:$0x1] =	vst.idx.msk $0xffff, v6;
	v5 =	vld [tilespmem:s1+$0x0]  }
0x1a8: {  	v6 =	vld [tilespmem:s0+$0x0];
	[tilespmem:v0+s26+$0x290 ss:$0x1] =	vst.idx.msk $0xffff, v7  }
0x1a9: {  	v7 =	vld [tilespmem:s2+$0x0];
	[tilespmem:v0+s26+$0x690 ss:$0x1] =	vst.idx.msk $0xffff, v2  }
0x1aa: {  	[tilespmem:v0+s15+$0x380 ss:$0x1] =	vst.idx.msk $0xffff, v3;
	v2 =	vld [tilespmem:s10+$0x0]  }
0x1ab: {  	v3 =	vld [tilespmem:s21+$0x10];
	[tilespmem:v0+s15+$0x780 ss:$0x1] =	vst.idx.msk $0xffff, v4  }
0x1ac: {  	v4 =	vld [tilespmem:s12+$0x10];
	[tilespmem:v0+s26+$0x4A0 ss:$0x1] =	vst.idx.msk $0xffff, v5  }
0x1ad: {  	[tilespmem:v0+s26+$0xA0 ss:$0x1] =	vst.idx.msk $0xffff, v6;
	v5 =	vld [tilespmem:s1+$0x10]  }
0x1ae: {  	v6 =	vld [tilespmem:s0+$0x10];
	[tilespmem:v0+s26+$0x2A0 ss:$0x1] =	vst.idx.msk $0xffff, v7  }
0x1af: {  	(v2sf) =	vpush v1, $0x7;
	v7 =	vld [tilespmem:s2+$0x10];
	[tilespmem:v0+s26+$0x6A0 ss:$0x1] =	vst.idx.msk $0xffff, v2  }
0x1b0: {  	[tilespmem:v0+s15+$0x190 ss:$0x1] =	vst.idx.msk $0xffff, v3;
	s2 =	rddreg [dreg:$0x14];
	v2 =	vld [tilespmem:s10+$0x10]  }
0x1b1: {  	[tilespmem:v0+s15+$0x390 ss:$0x1] =	vst.idx.msk $0xffff, v4;
	v4 =	vld [tilespmem:s2+$0x0]  }
0x1b2: {  	v3 =	vld [tilespmem:s24+$0x10];
	s0 =	spop (v2sf);
	[tilespmem:v0+s26+$0x4B0 ss:$0x1] =	vst.idx.msk $0xffff, v5  }
0x1b3: {  	s21 =	smov.u32 s4;
	s4 =	smov.u32 s11;
	s11 =	rddreg [dreg:$0x19];
	[tilespmem:v0+s26+$0xB0 ss:$0x1] =	vst.idx.msk $0xffff, v6;
	v5 =	vld [tilespmem:s0+$0x0]  }
0x1b4: {  	v6 =	vld [tilespmem:s11+$0x0];
	[tilespmem:v0+s26+$0x2B0 ss:$0x1] =	vst.idx.msk $0xffff, v7  }
0x1b5: {  	v7 =	vld [tilespmem:s30+$0x0];
	[tilespmem:v0+s26+$0x6B0 ss:$0x1] =	vst.idx.msk $0xffff, v2  }
0x1b6: {  	s3 =	rddreg [dreg:$0xa];
	[tilespmem:v0+s15+$0x1A0 ss:$0x1] =	vst.idx.msk $0xffff, v4;
	v2 =	vld [tilespmem:s31+$0x0]  }
0x1b7: {  	s24 =	rddreg [dreg:$0x12];
	[tilespmem:v0+s15+$0x790 ss:$0x1] =	vst.idx.msk $0xffff, v3;
	v3 =	vld [tilespmem:s3+$0x0]  }
0x1b8: {  	v4 =	vld [tilespmem:s24+$0x0];
	[tilespmem:v0+s26+$0x4C0 ss:$0x1] =	vst.idx.msk $0xffff, v5  }
0x1b9: {  	[tilespmem:v0+s26+$0xC0 ss:$0x1] =	vst.idx.msk $0xffff, v6;
	v5 =	vld [tilespmem:s0+$0x10]  }
0x1ba: {  	v6 =	vld [tilespmem:s11+$0x10];
	[tilespmem:v0+s26+$0x2C0 ss:$0x1] =	vst.idx.msk $0xffff, v7  }
0x1bb: {  	(v2sf) =	vpush v1, $0x8;
	v7 =	vld [tilespmem:s30+$0x10];
	[tilespmem:v0+s26+$0x6C0 ss:$0x1] =	vst.idx.msk $0xffff, v2  }
0x1bc: {  	[tilespmem:v0+s15+$0x3A0 ss:$0x1] =	vst.idx.msk $0xffff, v3;
	v2 =	vld [tilespmem:s31+$0x10]  }
0x1bd: {  	v3 =	vld [tilespmem:s2+$0x10];
	[tilespmem:v0+s15+$0x7A0 ss:$0x1] =	vst.idx.msk $0xffff, v4  }
0x1be: {  	s0 =	spop (v2sf);
	v4 =	vld [tilespmem:s3+$0x10];
	[tilespmem:v0+s26+$0x4D0 ss:$0x1] =	vst.idx.msk $0xffff, v5  }
0x1bf: {  	s11 =	smov.u32 s7;
	s7 =	smov.u32 s23;
	s23 =	rddreg [dreg:$0x15];
	[tilespmem:v0+s26+$0xD0 ss:$0x1] =	vst.idx.msk $0xffff, v6;
	v5 =	vld [tilespmem:s0+$0x0]  }
0x1c0: {  	s30 =	rddreg [dreg:$0x16];
	v6 =	vld [tilespmem:s23+$0x0];
	[tilespmem:v0+s26+$0x2D0 ss:$0x1] =	vst.idx.msk $0xffff, v7  }
0x1c1: {  	s31 =	rddreg [dreg:$0x17];
	v7 =	vld [tilespmem:s30+$0x0];
	[tilespmem:v0+s26+$0x6D0 ss:$0x1] =	vst.idx.msk $0xffff, v2  }
0x1c2: {  	s5 =	rddreg [dreg:$0x10];
	[tilespmem:v0+s15+$0x1B0 ss:$0x1] =	vst.idx.msk $0xffff, v3;
	v2 =	vld [tilespmem:s31+$0x0]  }
0x1c3: {  	[tilespmem:v0+s15+$0x3B0 ss:$0x1] =	vst.idx.msk $0xffff, v4;
	v4 =	vld [tilespmem:s5+$0x0]  }
0x1c4: {  	v3 =	vld [tilespmem:s24+$0x10];
	[tilespmem:v0+s26+$0x4E0 ss:$0x1] =	vst.idx.msk $0xffff, v5  }
0x1c5: {  	[tilespmem:v0+s26+$0xE0 ss:$0x1] =	vst.idx.msk $0xffff, v6;
	v5 =	vld [tilespmem:s0+$0x10]  }
0x1c6: {  	v6 =	vld [tilespmem:s23+$0x10];
	[tilespmem:v0+s26+$0x2E0 ss:$0x1] =	vst.idx.msk $0xffff, v7  }
0x1c7: {  	v7 =	vld [tilespmem:s30+$0x10];
	[tilespmem:v0+s26+$0x6E0 ss:$0x1] =	vst.idx.msk $0xffff, v2  }
0x1c8: {  	s13 =	sadd.s32 $0x4, s13;
	s1 =	rddreg [dreg:$0xf];
	[tilespmem:v0+s15+$0x1C0 ss:$0x1] =	vst.idx.msk $0xffff, v4;
	v8 =	vld [tilespmem:s31+$0x10]  }
0x1c9: {  	p0 =	slt.u32 s13, $0x3C;
	s10 =	rddreg [dreg:$0xd];
	v63 =	vld [tilespmem:s1+$0x0];
	[tilespmem:v0+s15+$0x7B0 ss:$0x1] =	vst.idx.msk $0xffff, v3  }
.Ltmp0:
0x1ca: {  	s0 =	spop (v2sf);
	v2 =	vld [tilespmem:s10+$0x0];
	[tilespmem:v0+s26+$0x4F0 ss:$0x1] =	vst.idx.msk $0xffff, v5;
	(pc) =	sbr.rel @p0 .LBB2_3-.Ltmp0, $4  }
0x1cb: {  	[tilespmem:v0+s26+$0xF0 ss:$0x1] =	vst.idx.msk $0xffff, v6;
	v6 =	vld [tilespmem:s0+$0x0]  }
0x1cc: {  	s3 =	smov.u32 s8;
	s8 =	rddreg [dreg:$0x18];
	v5 =	vld [tilespmem:s6+$0x0];
	[tilespmem:v0+s26+$0x2F0 ss:$0x1] =	vst.idx.msk $0xffff, v7  }
0x1cd: {  	s12 =	smov.u32 s14;
	v4 =	vld [tilespmem:s8+$0x0];
	[tilespmem:v0+s26+$0x6F0 ss:$0x1] =	vst.idx.msk $0xffff, v8  }
0x1ce: {  	s14 =	smov.u32 s9;
	s9 =	smov.u32 s25;
	(v2sf) =	vpush v1, $0x9;
	[dreg:$0xa] =	wrdreg s7;
	[tilespmem:v0+s15+$0x3C0 ss:$0x1] =	vst.idx.msk $0xffff, v63;
	v3 =	vld [tilespmem:s25+$0x0]  }
0x1cf: {  	_ =	sdelay $0x3  }
0x1d0: {  	[tilespmem:v0+s26+$0x500 ss:$0x1] =	vst.idx.msk $0xffff, v6  }
0x1d1: {  	v6 =	vld [tilespmem:s0+$0x10];
	[tilespmem:v0+s26+$0x100 ss:$0x1] =	vst.idx.msk $0xffff, v5  }
0x1d2: {  	v5 =	vld [tilespmem:s6+$0x10];
	[tilespmem:v0+s26+$0x300 ss:$0x1] =	vst.idx.msk $0xffff, v4  }
0x1d3: {  	v4 =	vld [tilespmem:s8+$0x10];
	[tilespmem:v0+s26+$0x700 ss:$0x1] =	vst.idx.msk $0xffff, v3  }
0x1d4: {  	v3 =	vld [tilespmem:s9+$0x10];
	_ =	sdelay $0x1  }
0x1d5: {  	[tilespmem:v0+s26+$0x510 ss:$0x1] =	vst.idx.msk $0xffff, v6  }
0x1d6: {  	[tilespmem:v0+s26+$0x110 ss:$0x1] =	vst.idx.msk $0xffff, v5  }
0x1d7: {  	(v2sf) =	vpush v1, $0xA;
	s24 =	rddreg [dreg:$0xc];
	[tilespmem:v0+s26+$0x310 ss:$0x1] =	vst.idx.msk $0xffff, v4  }
0x1d8: {  	[tilespmem:v0+s26+$0x710 ss:$0x1] =	vst.idx.msk $0xffff, v3  }
0x1d9: {  	v44 =	vld [tilespmem:s24+$0x0];
	s2 =	rddreg [dreg:$0xb]  }
0x1da: {  	v45 =	vld [tilespmem:s2+$0x0];
	s23 =	spop (v2sf)  }
0x1db: {  	v43 =	vld [tilespmem:s23+$0x0];
	_ =	sdelay $0x1  }
0x1dc: {  	v46 =	vld [tilespmem:s28+$0x0]  }
0x1dd: {  	[tilespmem:v0+s26+$0x120 ss:$0x1] =	vst.idx.msk $0xffff, v44  }
0x1de: {  	v6 =	vld [tilespmem:s24+$0x10];
	[tilespmem:v0+s26+$0x320 ss:$0x1] =	vst.idx.msk $0xffff, v45  }
0x1df: {  	v3 =	vld [tilespmem:s2+$0x10];
	[tilespmem:v0+s26+$0x520 ss:$0x1] =	vst.idx.msk $0xffff, v43  }
0x1e0: {  	v5 =	vld [tilespmem:s23+$0x10]  }
0x1e1: {  	[tilespmem:v0+s26+$0x720 ss:$0x1] =	vst.idx.msk $0xffff, v46  }
0x1e2: {  	v4 =	vld [tilespmem:s28+$0x10]  }
0x1e3: {  	(v2sf) =	vpush v1, $0xB;
	[tilespmem:v0+s26+$0x130 ss:$0x1] =	vst.idx.msk $0xffff, v6  }
0x1e4: {  	[tilespmem:v0+s26+$0x330 ss:$0x1] =	vst.idx.msk $0xffff, v3  }
0x1e5: {  	s25 =	spop (v2sf);
	v6 =	vld [tilespmem:s16+$0x0];
	[tilespmem:v0+s26+$0x530 ss:$0x1] =	vst.idx.msk $0xffff, v5  }
0x1e6: {  	v5 =	vld [tilespmem:s25+$0x0];
	s28 =	rddreg [dreg:$0xe]  }
0x1e7: {  	[tilespmem:v0+s26+$0x730 ss:$0x1] =	vst.idx.msk $0xffff, v4;
	v3 =	vld [tilespmem:s28+$0x0]  }
0x1e8: {  	v4 =	vld [tilespmem:s14+$0x0];
	_ =	sdelay $0x1  }
0x1e9: {  	[tilespmem:v0+s26+$0x140 ss:$0x1] =	vst.idx.msk $0xffff, v6  }
0x1ea: {  	v6 =	vld [tilespmem:s16+$0x10];
	[tilespmem:v0+s26+$0x540 ss:$0x1] =	vst.idx.msk $0xffff, v5  }
0x1eb: {  	v5 =	vld [tilespmem:s25+$0x10];
	[tilespmem:v0+s26+$0x340 ss:$0x1] =	vst.idx.msk $0xffff, v3  }
0x1ec: {  	[tilespmem:v0+s26+$0x740 ss:$0x1] =	vst.idx.msk $0xffff, v4;
	v3 =	vld [tilespmem:s28+$0x10]  }
0x1ed: {  	v4 =	vld [tilespmem:s14+$0x10]  }
0x1ee: {  	(v2sf) =	vpush v1, $0xC  }
0x1ef: {  	[tilespmem:v0+s26+$0x150 ss:$0x1] =	vst.idx.msk $0xffff, v6  }
0x1f0: {  	[tilespmem:v0+s26+$0x550 ss:$0x1] =	vst.idx.msk $0xffff, v5  }
0x1f1: {  	s29 =	spop (v2sf);
	[tilespmem:v0+s26+$0x350 ss:$0x1] =	vst.idx.msk $0xffff, v3  }
0x1f2: {  	v5 =	vld [tilespmem:s29+$0x0];
	s7 =	rddreg [dreg:$0x9];
	[tilespmem:v0+s26+$0x750 ss:$0x1] =	vst.idx.msk $0xffff, v4  }
0x1f3: {  	v47 =	vld [tilespmem:s7+$0x0];
	s30 =	rddreg [dreg:$0x7]  }
0x1f4: {  	s31 =	rddreg [dreg:$0x8];
	v48 =	vld [tilespmem:s30+$0x0]  }
0x1f5: {  	v49 =	vld [tilespmem:s31+$0x0];
	_ =	sdelay $0x1  }
0x1f6: {  	[tilespmem:v0+s26+$0x560 ss:$0x1] =	vst.idx.msk $0xffff, v5  }
0x1f7: {  	v5 =	vld [tilespmem:s29+$0x10];
	[tilespmem:v0+s26+$0x160 ss:$0x1] =	vst.idx.msk $0xffff, v47  }
0x1f8: {  	v3 =	vld [tilespmem:s7+$0x10];
	[tilespmem:v0+s26+$0x360 ss:$0x1] =	vst.idx.msk $0xffff, v48  }
0x1f9: {  	[tilespmem:v0+s26+$0x760 ss:$0x1] =	vst.idx.msk $0xffff, v49;
	v4 =	vld [tilespmem:s30+$0x10]  }
0x1fa: {  	(v2sf) =	vpush v1, $0xD;
	v6 =	vld [tilespmem:s31+$0x10];
	_ =	sdelay $0x1  }
0x1fb: {  	s7 =	spop (v2sf);
	[tilespmem:v0+s26+$0x570 ss:$0x1] =	vst.idx.msk $0xffff, v5  }
0x1fc: {  	v5 =	vld [tilespmem:s7+$0x0];
	[tilespmem:v0+s26+$0x170 ss:$0x1] =	vst.idx.msk $0xffff, v3  }
0x1fd: {  	[tilespmem:v0+s26+$0x370 ss:$0x1] =	vst.idx.msk $0xffff, v4;
	v3 =	vld [tilespmem:s21+$0x0]  }
0x1fe: {  	[tilespmem:v0+s26+$0x770 ss:$0x1] =	vst.idx.msk $0xffff, v6;
	v4 =	vld [tilespmem:s12+$0x0]  }
0x1ff: {  	v6 =	vld [tilespmem:s4+$0x0];
	_ =	sdelay $0x1  }
0x200: {  	[tilespmem:v0+s26+$0x580 ss:$0x1] =	vst.idx.msk $0xffff, v5  }
0x201: {  	v5 =	vld [tilespmem:s7+$0x10];
	[tilespmem:v0+s26+$0x180 ss:$0x1] =	vst.idx.msk $0xffff, v3  }
0x202: {  	v3 =	vld [tilespmem:s21+$0x10];
	[tilespmem:v0+s26+$0x380 ss:$0x1] =	vst.idx.msk $0xffff, v4  }
0x203: {  	[tilespmem:v0+s26+$0x780 ss:$0x1] =	vst.idx.msk $0xffff, v6;
	v4 =	vld [tilespmem:s12+$0x10]  }
0x204: {  	v6 =	vld [tilespmem:s4+$0x10]  }
0x205: {  	(v2sf) =	vpush v1, $0xE  }
0x206: {  	[tilespmem:v0+s26+$0x590 ss:$0x1] =	vst.idx.msk $0xffff, v5  }
0x207: {  	s8 =	spop (v2sf);
	[tilespmem:v0+s26+$0x190 ss:$0x1] =	vst.idx.msk $0xffff, v3  }
0x208: {  	v5 =	vld [tilespmem:s8+$0x0];
	[tilespmem:v0+s26+$0x390 ss:$0x1] =	vst.idx.msk $0xffff, v4  }
0x209: {  	v3 =	vld [tilespmem:s11+$0x0];
	[tilespmem:v0+s26+$0x790 ss:$0x1] =	vst.idx.msk $0xffff, v6  }
0x20a: {  	s9 =	rddreg [dreg:$0xa];
	v6 =	vld [tilespmem:s3+$0x0]  }
0x20b: {  	v4 =	vld [tilespmem:s9+$0x0]  }
0x20c: {  	v7 =	vld [tilespmem:s5+$0x10];
	[tilespmem:v0+s15+$0x7C0 ss:$0x1] =	vst.idx.msk $0xffff, v2  }
0x20d: {  	v51 =	vld [tilespmem:s1+$0x10];
	[tilespmem:v0+s26+$0x5A0 ss:$0x1] =	vst.idx.msk $0xffff, v5  }
0x20e: {  	v5 =	vld [tilespmem:s8+$0x10];
	[tilespmem:v0+s26+$0x1A0 ss:$0x1] =	vst.idx.msk $0xffff, v3  }
0x20f: {  	v3 =	vld [tilespmem:s11+$0x10];
	[tilespmem:v0+s26+$0x7A0 ss:$0x1] =	vst.idx.msk $0xffff, v6  }
0x210: {  	[tilespmem:v0+s26+$0x3A0 ss:$0x1] =	vst.idx.msk $0xffff, v4;
	v50 =	vld [tilespmem:s3+$0x10]  }
0x211: {  	[tilespmem:v0+s15+$0x1D0 ss:$0x1] =	vst.idx.msk $0xffff, v7;
	v4 =	vld [tilespmem:s9+$0x10]  }
0x212: {  	(v2sf) =	vpush v1, $0xF;
	[tilespmem:v0+s15+$0x3D0 ss:$0x1] =	vst.idx.msk $0xffff, v51;
	v52 =	vld [tilespmem:s10+$0x10]  }
0x213: {  	[tilespmem:v0+s26+$0x5B0 ss:$0x1] =	vst.idx.msk $0xffff, v5  }
0x214: {  	s12 =	spop (v2sf);
	[tilespmem:v0+s26+$0x1B0 ss:$0x1] =	vst.idx.msk $0xffff, v3  }
0x215: {  	v5 =	vld [tilespmem:s12+$0x0];
	[tilespmem:v0+s26+$0x7B0 ss:$0x1] =	vst.idx.msk $0xffff, v50  }
0x216: {  	v3 =	vld [tilespmem:s22+$0x0];
	[tilespmem:v0+s26+$0x3B0 ss:$0x1] =	vst.idx.msk $0xffff, v4  }
0x217: {  	v53 =	vld [tilespmem:s18+$0x0];
	s13 =	rddreg [dreg:$0x11];
	[tilespmem:v0+s15+$0x7D0 ss:$0x1] =	vst.idx.msk $0xffff, v52  }
0x218: {  	v54 =	vld [tilespmem:s13+$0x0];
	s14 =	rddreg [dreg:$0x6]  }
0x219: {  	s21 =	rddreg [dreg:$0x4];
	v55 =	vld [tilespmem:s14+$0x0]  }
0x21a: {  	[tilespmem:v0+s26+$0x5C0 ss:$0x1] =	vst.idx.msk $0xffff, v5;
	v56 =	vld [tilespmem:s21+$0x0]  }
0x21b: {  	[tilespmem:v0+s26+$0x1C0 ss:$0x1] =	vst.idx.msk $0xffff, v3  }
0x21c: {  	v5 =	vld [tilespmem:s12+$0x10];
	[tilespmem:v0+s26+$0x3C0 ss:$0x1] =	vst.idx.msk $0xffff, v53  }
0x21d: {  	v3 =	vld [tilespmem:s22+$0x10];
	[tilespmem:v0+s26+$0x7C0 ss:$0x1] =	vst.idx.msk $0xffff, v54  }
0x21e: {  	v1 =	vld [tilespmem:s18+$0x10];
	[tilespmem:v0+s15+$0x1E0 ss:$0x1] =	vst.idx.msk $0xffff, v55  }
0x21f: {  	v2 =	vld [tilespmem:s13+$0x10];
	[tilespmem:v0+s15+$0x3E0 ss:$0x1] =	vst.idx.msk $0xffff, v56  }
0x220: {  	s22 =	rddreg [dreg:$0x5];
	v58 =	vld [tilespmem:s14+$0x10]  }
0x221: {  	s23 =	spop (v2sf);
	[tilespmem:v0+s26+$0x5D0 ss:$0x1] =	vst.idx.msk $0xffff, v5;
	v57 =	vld [tilespmem:s22+$0x0]  }
0x222: {  	v5 =	vld [tilespmem:s23+$0x0];
	[tilespmem:v0+s26+$0x1D0 ss:$0x1] =	vst.idx.msk $0xffff, v3  }
0x223: {  	v59 =	vld [tilespmem:s17+$0x0];
	[tilespmem:v0+s26+$0x3D0 ss:$0x1] =	vst.idx.msk $0xffff, v1  }
0x224: {  	[tilespmem:v0+s26+$0x7D0 ss:$0x1] =	vst.idx.msk $0xffff, v2;
	v60 =	vld [tilespmem:s20+$0x0]  }
0x225: {  	v62 =	vld [tilespmem:s21+$0x10];
	[tilespmem:v0+s15+$0x1F0 ss:$0x1] =	vst.idx.msk $0xffff, v58  }
0x226: {  	v61 =	vld [tilespmem:s19+$0x0];
	[tilespmem:v0+s15+$0x7E0 ss:$0x1] =	vst.idx.msk $0xffff, v57  }
0x227: {  	[tilespmem:v0+s26+$0x5E0 ss:$0x1] =	vst.idx.msk $0xffff, v5;
	v63 =	vld [tilespmem:s22+$0x10]  }
0x228: {  	v5 =	vld [tilespmem:s23+$0x10];
	[tilespmem:v0+s26+$0x1E0 ss:$0x1] =	vst.idx.msk $0xffff, v59  }
0x229: {  	v1 =	vld [tilespmem:s17+$0x10];
	[tilespmem:v0+s26+$0x3E0 ss:$0x1] =	vst.idx.msk $0xffff, v60  }
0x22a: {  	[tilespmem:v0+s15+$0x3F0 ss:$0x1] =	vst.idx.msk $0xffff, v62;
	v2 =	vld [tilespmem:s20+$0x10]  }
0x22b: {  	[tilespmem:v0+s26+$0x7E0 ss:$0x1] =	vst.idx.msk $0xffff, v61  }
0x22c: {  	v3 =	vld [tilespmem:s19+$0x10];
	[tilespmem:v0+s15+$0x7F0 ss:$0x1] =	vst.idx.msk $0xffff, v63  }
0x22d: {  	[tilespmem:v0+s26+$0x5F0 ss:$0x1] =	vst.idx.msk $0xffff, v5  }
0x22e: {  	[tilespmem:v0+s26+$0x1F0 ss:$0x1] =	vst.idx.msk $0xffff, v1  }
0x22f: {  	[tilespmem:v0+s26+$0x3F0 ss:$0x1] =	vst.idx.msk $0xffff, v2  }
0x230: {  	s24 =	sld [smem:$0x7F2]  }
0x231: {  	s25 =	sld [smem:$0x7F3];
	[tilespmem:v0+s26+$0x7F0 ss:$0x1] =	vst.idx.msk $0xffff, v3  }
0x232: {  	s7 =	sld [smem:$0x7F1];
	_ =	sdelay $0x2  }
0x233: {  	s31 =	sld [smem:$0x7F0];
	p0 =	sne.s32 s7, $0x20  }
.Ltmp1:
0x234: {  	s15 =	sld [smem:$0x7FD];
	(pc) =	sbr.rel @p0 .LBB2_2-.Ltmp1, $4  }
0x235: {  	s30 =	simm.s32 $0x0;
	s29 =	rddreg [dreg:$0x1d];
	s0 =	sshll.u32 s24, $0xC  }
0x236: {  	s28 =	sshll.u32 s25, $0xF;
	s2 =	sadd.s32 $0x4, s25;
	s0 =	sadd.s32 s0, s29  }
0x237: {  	s1 =	sor.u32 $0x1000, s28;
	s4 =	sadd.s32 $0x400, s31;
	s15 =	sadd.s32 $0x8000, s15  }
0x238: {  	[hbm4b:s0+s30] =	stream.linear.scatter [tilespmem:s1], [sflag:s2], $0x8000, $0x38;
	[tilespmem:$0x19000] =	vst v63  }
0x239: {  	s0 =	simm.s32 $0x6  }
0x23a: {  	_ =	swait.ge [sflag:s0], $0x8000  }
0x23b: {  	[sflag:s0] =	ssyncset.done $0x0  }
0x23c: {  	s30 =	simm.s32 $0x4;
	[sflag:s0] =	ssyncadd.s32 $0xFFFF8000  }
0x23d: {  	_ =	swait.ge [sflag:s30], $0x8000  }
0x23e: {  	[sflag:s30] =	ssyncset.done $0x0  }
0x23f: {  	s1 =	simm.s32 $0x5;
	[sflag:s30] =	ssyncadd.s32 $0xFFFF8000  }
0x240: {  	_ =	swait.ge [sflag:s1], $0x8000  }
0x241: {  	s2 =	rddreg [dreg:$0x1f]  }
0x242: {  	s31 =	rddreg [dreg:$0x1e];
	s2 =	sadd.s32 $0x1, s2  }
0x243: {  	p0 =	sne.s32 s2, s31  }
.Ltmp2:
0x244: {  	_ = 	snop;
	(pc) =	sbr.rel @p0 .LBB2_1-.Ltmp2, $3  }
0x245: {  	_ =	sdelay $0x1  }
0x246: {  	[sflag:s1] =	ssyncset.done $0x0  }
0x247: {  	[sflag:s1] =	ssyncadd.s32 $0xFFFF8000  }
0x248: {  	_ =	sfence.sel $0x180000  }
0x249: {  	[bflag:$0x0] =	sbarrier.arrive $0xFFFF  }
0x24a: {  	_ =	strace $0x90000047  }
0x24b: {  	s0 =	stileid.u32;
	[bflag:$0x2] =	sbarrier.arrive $0xFFFF  }
0x24c: {  	p0 =	sne.s32 s0, $0x0;
	s0 =	rddreg [dreg:$0x2]  }
0x24d: {  	s0 =	sadd.s32 @!p0 $0x100000, s0  }
0x24e: {  	[sflag:s0] =	ssyncadd.tile.s32 @!p0 $0x1;
	_ =	shalt  }
.Lfunc_end2:
_tile_overlayer_lowered:
.L_overlay_start_2:
0x24f: {  	(tag) =	ssettag $0x2  }
0x250: {  	s0 =	rddreg [dreg:$0x0];
	s2 =	stileid.u32  }
0x251: {  	s1 =	rddreg [dreg:$0x1];
	p0 =	sne.s32 s2, $0x0  }
0x252: {  	s3 =	rddreg [dreg:$0x2];
	[bflag:$0x3] =	sbarrier.arrive $0xFFFF;
	s2 =	simm.s32 @!p0 $0x1C07  }
0x253: {  	[timem:s3], [sflag:s2] =	dma.local @!p0 [hbm:s0], s1  }
0x254: {  	s0 =	simm.s32 @!p0 $0x7  }
0x255: {  	_ =	swait.ge @!p0 [sflag:s0], s1  }
0x256: {  	s1 =	ssub.s32 @!p0 $0x0, s1;
	[sflag:s0] =	ssyncset.done @!p0 $0x0  }
0x257: {  	[sflag:s0] =	ssyncadd.s32 @!p0 s1  }
0x258: {  	[bflag:$0x3] =	sbarrier.arrive $0xFFFF  }
0x259: {  	_ =	shalt  }

</sc_bundles>
